<compile_context>
chip_gen: v7x
topology: tpu7x:2x2x1
jax: 0.10.2.dev20260603
libtpu: 0.0.44.dev20260713+nightly
codegen_flags: <defaults>
</compile_context>

<pallas_src>
import functools

import jax
import jax.numpy as jnp
from jax import lax
from jax.experimental import pallas as pl
from jax.experimental.pallas import tpu as pltpu
from jax.experimental.pallas import tpu_sc as plsc

_NUM_CODES = 8192
_DIM = 32
_BETA = 0.25
_B = 8192
_BB = 512
_GRID = _B // _BB
_NWIN = 4
_W = _NUM_CODES // _NWIN

_NW = 32
_BPW = _B // _NW
_PD = 128


def _vq_body(z_ref, zs_ref, cb_ref, cbb_ref, idx3_ref, commit_ref,
             e2_ref, acc_ref):
    i = pl.program_id(0)
    z = z_ref[...]
    zs = zs_ref[...]
    cbb = cbb_ref[...]

    @pl.when(i == 0)
    def _():
        cb = cb_ref[...]
        e2_ref[...] = jnp.sum(cb * cb, axis=1)[None, :]

    z2 = jnp.sum(z * z, axis=1, keepdims=True)
    e2 = e2_ref[...]
    nze2 = jax.lax.dot_general(zs, cbb, (((1,), (1,)), ((), ())),
                               preferred_element_type=jnp.float32)
    dist = (z2 + e2) + nze2

    iota_k = jax.lax.broadcasted_iota(jnp.int32, (1, _NUM_CODES), 1)

    acc_v = jnp.full((_BB, 1), jnp.inf, jnp.float32)
    acc_i = jnp.zeros((_BB, 1), jnp.int32)
    tv = jnp.full((_BB, 1), jnp.inf, jnp.float32)
    for w in range(_NWIN):
        dw = jax.lax.slice_in_dim(dist, w * _W, (w + 1) * _W, axis=1)
        io = jax.lax.slice_in_dim(iota_k, w * _W, (w + 1) * _W, axis=1)
        wmin = jnp.min(dw, axis=1, keepdims=True)
        widx = jnp.min(jnp.where(dw == wmin, io, _NUM_CODES), axis=1,
                       keepdims=True)
        lt = wmin < acc_v
        take = lt | ((wmin == acc_v) & (widx < acc_i))
        acc_v = jnp.where(lt, wmin, acc_v)
        acc_v = acc_v.astype(jnp.bfloat16).astype(jnp.float32)
        acc_i = jnp.where(take, widx, acc_i)
        tv = jnp.where(take, wmin, tv)
    idx3_ref[...] = jnp.reshape(acc_i[:, 0], (_BB // 256, 2, 128))

    block_commit = jnp.sum(tv)

    @pl.when(i == 0)
    def _():
        acc_ref[0] = block_commit

    @pl.when(i > 0)
    def _():
        acc_ref[0] += block_commit

    @pl.when(i == _GRID - 1)
    def _():
        commit_ref[...] = jnp.reshape(
            acc_ref[0] * (_BETA / (_B * _DIM)), (1, 1))


def _tc_main(z, zs, codebook, cbb):
    return pl.pallas_call(
        _vq_body,
        grid=(_GRID,),
        in_specs=[
            pl.BlockSpec((_BB, _DIM), lambda i: (i, 0)),
            pl.BlockSpec((_BB, _DIM), lambda i: (i, 0)),
            pl.BlockSpec((_NUM_CODES, _DIM), lambda i: (0, 0)),
            pl.BlockSpec((_NUM_CODES, _DIM), lambda i: (0, 0)),
        ],
        out_specs=[
            pl.BlockSpec((_BB // 256, 2, 128), lambda i: (i, 0, 0)),
            pl.BlockSpec((1, 1), lambda i: (0, 0)),
        ],
        out_shape=[
            jax.ShapeDtypeStruct((_NW, 2, 128), jnp.int32),
            jax.ShapeDtypeStruct((1, 1), jnp.float32),
        ],
        scratch_shapes=[
            pltpu.VMEM((1, _NUM_CODES), jnp.float32),
            pltpu.SMEM((1,), jnp.float32),
        ],
    )(z, zs, codebook, cbb)


_N128 = _BPW // 128
_CLR = _NUM_CODES // 16


@functools.partial(
    pl.kernel,
    out_type=[
        jax.ShapeDtypeStruct((_B, _PD), jnp.float32),
        jax.ShapeDtypeStruct((2, _NUM_CODES), jnp.float32),
    ],
    mesh=plsc.VectorSubcoreMesh(core_axis_name="c", subcore_axis_name="s"),
    scratch_types=[
        pltpu.VMEM((_N128, 128), jnp.int32),
        pltpu.VMEM((_BPW, _PD), jnp.float32),
        pltpu.VMEM((_CLR,), jnp.float32),
        pltpu.VMEM((128,), jnp.float32),
        pltpu.VMEM_SHARED((_NUM_CODES,), jnp.float32),
        pltpu.SemaphoreType.DMA,
    ],
)
def _sc_gather_hist(table_hbm, idx3_hbm, q_hbm, counts_hbm,
                    idx2_v, rows_v, zeros_v, ones_v, shared_counts, sem):
    c = lax.axis_index("c")
    s = lax.axis_index("s")
    wid = s * 2 + c
    base = wid * _BPW
    pltpu.sync_copy(idx3_hbm.at[wid], idx2_v)
    for j in range(_N128):
        pltpu.async_copy(table_hbm.at[idx2_v.at[j]],
                         rows_v.at[pl.ds(j * 128, 128)], sem)

    zeros = jnp.zeros((16,), jnp.float32)
    for j in range(_CLR // 16):
        zeros_v[pl.ds(j * 16, 16)] = zeros
    ones = jnp.ones((16,), jnp.float32)
    for j in range(128 // 16):
        ones_v[pl.ds(j * 16, 16)] = ones
    pltpu.sync_copy(zeros_v, shared_counts.at[pl.ds(s * _CLR, _CLR)])
    plsc.subcore_barrier()
    for j in range(_N128):
        pltpu.sync_copy(ones_v, shared_counts.at[idx2_v.at[j]], add=True)
    plsc.subcore_barrier()

    @pl.when(s == 0)
    def _():
        pltpu.sync_copy(shared_counts, counts_hbm.at[c])

    for j in range(_N128):
        pltpu.make_async_copy(table_hbm.at[idx2_v.at[j]],
                              rows_v.at[pl.ds(j * 128, 128)], sem).wait()
    pltpu.sync_copy(rows_v, q_hbm.at[pl.ds(base, _BPW)])


def _stats_body(counts_ref, ent_ref, used_ref):
    counts = jnp.sum(counts_ref[...], axis=0, keepdims=True)
    usage = counts * (1.0 / _B) + 1e-10
    ent_ref[...] = jnp.reshape(-jnp.sum(usage * jnp.log(usage)), (1, 1))
    used_ref[...] = jnp.reshape(
        jnp.sum((counts > 0.0).astype(jnp.int32)), (1, 1))


def _tc_stats(partials):
    return pl.pallas_call(
        _stats_body,
        out_shape=[
            jax.ShapeDtypeStruct((1, 1), jnp.float32),
            jax.ShapeDtypeStruct((1, 1), jnp.int32),
        ],
    )(partials)


def kernel(z, codebook):
    zs = (-2.0 * z).astype(jnp.bfloat16)
    cbb = codebook.astype(jnp.bfloat16)
    cbb32 = cbb.astype(jnp.float32)
    table = jnp.pad(cbb32, ((0, 0), (0, _PD - _DIM)))
    idx3, commit = _tc_main(z, zs, codebook, cbb)
    q_pad, partials = _sc_gather_hist(table, idx3)
    ent, used = _tc_stats(partials)
    q = q_pad[:, :_DIM]
    idx = idx3.reshape(_B)
    return (q, idx, commit[0, 0], ent[0, 0], used[0, 0])

# --- scband reference (transcript-rebuilt; emitter-appended) ---
"""Pipeline reference for scband-vector-quantizer-30227979829420 (READ-ONLY COPY).

The authoritative reference and input builder live on the scoring server;
editing this copy changes nothing except your own understanding.
"""

import jax, jax.numpy as jnp
import numpy as np

NUM_CODES = 8192
DIM = 32
BETA = 0.25
B = 8192


def setup_inputs(seed: int = 0) -> dict:
    key = jax.random.key(seed)
    k1, k2 = jax.random.split(key)
    z = jax.random.normal(k1, (B, DIM), dtype=jnp.float32)
    codebook = jax.random.normal(k2, (NUM_CODES, DIM), dtype=jnp.float32) * (1.0 / NUM_CODES ** 0.5)
    return {"z": z, "codebook": codebook}


def reference(z, codebook):
    # Eval-mode forward of VectorQuantizer (EMA buffer updates are train-only state mutation).
    z2 = jnp.sum(z ** 2, axis=-1, keepdims=True)            # (B, 1)
    e2 = jnp.sum(codebook ** 2, axis=-1)[None, :]           # (1, K)
    ze = z @ codebook.T                                      # (B, K)
    dist = z2 + e2 - 2.0 * ze                                # (B, K)
    indices = jnp.argmin(dist, axis=-1)                      # (B,)
    one_hot = jax.nn.one_hot(indices, NUM_CODES, dtype=jnp.float32)  # (B, K)
    quantised = one_hot @ codebook                           # (B, D) == codebook[indices]
    # straight-through estimator
    quantised_st = z + jax.lax.stop_gradient(quantised - z)
    # commitment loss (ema=True branch: only beta * mse(z, sg(quantised)))
    commit = BETA * jnp.mean((z - jax.lax.stop_gradient(quantised)) ** 2)
    usage = jnp.mean(one_hot, axis=0) + 1e-10
    entropy = -jnp.sum(usage * jnp.log(usage))
    codes_used = jnp.sum(jnp.sum(one_hot, axis=0) > 0)
    return (quantised_st, indices, commit, entropy, codes_used)

if __name__ == "__main__":
    import jax
    _d = setup_inputs()
    print(jax.jit(kernel)(*tuple(_d.values())))

</pallas_src>

<mosaic_0001>
#map = affine_map<(d0, d1) -> (0, 0)>
#map1 = affine_map<(d0, d1) -> (0, 0, 0)>
module attributes {stable_mosaic.version = 14 : i64} {
  func.func @_sc_gather_hist(%arg0: i32, %arg1: i32, %arg2: memref<8192x128xf32, #tpu.memory_space<hbm>>, %arg3: memref<32x2x128xi32, #tpu.memory_space<hbm>>, %arg4: memref<8192x128xf32, #tpu.memory_space<hbm>>, %arg5: memref<2x8192xf32, #tpu.memory_space<hbm>>, %arg6: memref<2x128xi32, #tpu.memory_space<vmem>>, %arg7: memref<256x128xf32, #tpu.memory_space<vmem>>, %arg8: memref<512xf32, #tpu.memory_space<vmem>>, %arg9: memref<128xf32, #tpu.memory_space<vmem>>, %arg10: memref<8192xf32, #tpu.memory_space<vmem_shared>>, %arg11: memref<!tpu.dma_semaphore, #tpu.memory_space<semaphore_mem>>) attributes {dimension_semantics = [#tpu.dimension_semantics<core_parallel>, #tpu.dimension_semantics<subcore_parallel>], iteration_bounds = array<i64: 2, 16>, scalar_prefetch = 0 : i64, scratch_operands = 6 : i64, tpu.core_type = #tpu.core_type<sc_vector_subcore>, window_params = [{transform_indices = #map}, {transform_indices = #map1}, {transform_indices = #map}, {transform_indices = #map}]} {
    %mul3A = arith.constant 2 : i32
    %mul3A_0 = arith.muli %arg1, %mul3A : i32
    %add3A = arith.addi %mul3A_0, %arg0 : i32
    %mul3A_1 = arith.constant 256 : i32
    %mul3A_2 = arith.muli %add3A, %mul3A_1 : i32
    "tpu.region"() ({
      %run_scoped3A_209 = tpu.sem_alloc : memref<!tpu.dma_semaphore, #tpu.memory_space<semaphore_mem>>
      %dma_start3A_210 = arith.constant 0 : i32
      %dma_start3A_211 = arith.constant 0 : i32
      %dma_start3A_212 = tpu.memref_slice %arg3[%add3A, %dma_start3A_210, %dma_start3A_211] : memref<32x2x128xi32, #tpu.memory_space<hbm>> -> memref<1x2x128xi32, #tpu.memory_space<hbm>>
      %dma_start3A_213 = tpu.memref_squeeze %dma_start3A_212 : memref<1x2x128xi32, #tpu.memory_space<hbm>> -> memref<2x128xi32, #tpu.memory_space<hbm>>
      %dma_start3A_214 = arith.constant 0 : i32
      %dma_start3A_215 = arith.constant 0 : i32
      %dma_start3A_216 = tpu.memref_slice %arg3[%add3A, %dma_start3A_214, %dma_start3A_215] : memref<32x2x128xi32, #tpu.memory_space<hbm>> -> memref<1x2x128xi32, #tpu.memory_space<hbm>>
      %dma_start3A_217 = tpu.memref_squeeze %dma_start3A_216 : memref<1x2x128xi32, #tpu.memory_space<hbm>> -> memref<2x128xi32, #tpu.memory_space<hbm>>
      tpu.enqueue_dma source(%dma_start3A_217 : memref<2x128xi32, #tpu.memory_space<hbm>>) target(%arg6 : memref<2x128xi32, #tpu.memory_space<vmem>>) target_semaphore(%run_scoped3A_209 : memref<!tpu.dma_semaphore, #tpu.memory_space<semaphore_mem>>)
      %dma_wait3A_218 = arith.constant 0 : i32
      %dma_wait3A_219 = arith.constant 0 : i32
      %dma_wait3A_220 = tpu.memref_slice %arg3[%add3A, %dma_wait3A_218, %dma_wait3A_219] : memref<32x2x128xi32, #tpu.memory_space<hbm>> -> memref<1x2x128xi32, #tpu.memory_space<hbm>>
      %dma_wait3A_221 = tpu.memref_squeeze %dma_wait3A_220 : memref<1x2x128xi32, #tpu.memory_space<hbm>> -> memref<2x128xi32, #tpu.memory_space<hbm>>
      %dma_wait3A_222 = arith.constant 0 : i32
      %dma_wait3A_223 = arith.constant 0 : i32
      %dma_wait3A_224 = tpu.memref_slice %arg3[%add3A, %dma_wait3A_222, %dma_wait3A_223] : memref<32x2x128xi32, #tpu.memory_space<hbm>> -> memref<1x2x128xi32, #tpu.memory_space<hbm>>
      %dma_wait3A_225 = tpu.memref_squeeze %dma_wait3A_224 : memref<1x2x128xi32, #tpu.memory_space<hbm>> -> memref<2x128xi32, #tpu.memory_space<hbm>>
      tpu.wait_dma2 semaphore(%run_scoped3A_209 : memref<!tpu.dma_semaphore, #tpu.memory_space<semaphore_mem>>) src(%dma_wait3A_225 : memref<2x128xi32, #tpu.memory_space<hbm>>) dst(%arg6 : memref<2x128xi32, #tpu.memory_space<vmem>>)
      tpu.yield
    }) : () -> ()
    %dma_start3A = arith.constant 0 : i32
    %dma_start3A_3 = arith.constant 0 : i32
    %dma_start3A_4 = arith.constant 0 : i32
    %dma_start3A_5 = tpu.memref_slice %arg7[%dma_start3A_3, %dma_start3A_4] : memref<256x128xf32, #tpu.memory_space<vmem>> -> memref<128x128xf32, #tpu.memory_space<vmem>>
    %dma_start3A_6 = arith.constant 0 : i32
    %dma_start3A_7 = tpu.memref_slice %arg6[%dma_start3A, %dma_start3A_6] : memref<2x128xi32, #tpu.memory_space<vmem>> -> memref<1x128xi32, #tpu.memory_space<vmem>>
    %dma_start3A_8 = tpu.memref_squeeze %dma_start3A_7 : memref<1x128xi32, #tpu.memory_space<vmem>> -> memref<128xi32, #tpu.memory_space<vmem>>
    %dma_start3A_9 = arith.constant 0 : i32
    %dma_start3A_10 = arith.constant 0 : i32
    %dma_start3A_11 = tpu.memref_slice %arg2[%dma_start3A_9, %dma_start3A_10] : memref<8192x128xf32, #tpu.memory_space<hbm>> -> memref<8192x128xf32, #tpu.memory_space<hbm>>
    tpu.enqueue_indirect_dma source(%dma_start3A_11 : memref<8192x128xf32, #tpu.memory_space<hbm>>) target(%dma_start3A_5 : memref<128x128xf32, #tpu.memory_space<vmem>>) offsets(%dma_start3A_8 : memref<128xi32, #tpu.memory_space<vmem>>) semaphore(%arg11 : memref<!tpu.dma_semaphore, #tpu.memory_space<semaphore_mem>>)
    %dma_start3A_12 = arith.constant 1 : i32
    %dma_start3A_13 = arith.constant 128 : i32
    %dma_start3A_14 = arith.constant 0 : i32
    %dma_start3A_15 = tpu.memref_slice %arg7[%dma_start3A_13, %dma_start3A_14] : memref<256x128xf32, #tpu.memory_space<vmem>> -> memref<128x128xf32, #tpu.memory_space<vmem>>
    %dma_start3A_16 = arith.constant 0 : i32
    %dma_start3A_17 = tpu.memref_slice %arg6[%dma_start3A_12, %dma_start3A_16] : memref<2x128xi32, #tpu.memory_space<vmem>> -> memref<1x128xi32, #tpu.memory_space<vmem>>
    %dma_start3A_18 = tpu.memref_squeeze %dma_start3A_17 : memref<1x128xi32, #tpu.memory_space<vmem>> -> memref<128xi32, #tpu.memory_space<vmem>>
    %dma_start3A_19 = arith.constant 0 : i32
    %dma_start3A_20 = arith.constant 0 : i32
    %dma_start3A_21 = tpu.memref_slice %arg2[%dma_start3A_19, %dma_start3A_20] : memref<8192x128xf32, #tpu.memory_space<hbm>> -> memref<8192x128xf32, #tpu.memory_space<hbm>>
    tpu.enqueue_indirect_dma source(%dma_start3A_21 : memref<8192x128xf32, #tpu.memory_space<hbm>>) target(%dma_start3A_15 : memref<128x128xf32, #tpu.memory_space<vmem>>) offsets(%dma_start3A_18 : memref<128xi32, #tpu.memory_space<vmem>>) semaphore(%arg11 : memref<!tpu.dma_semaphore, #tpu.memory_space<semaphore_mem>>)
    %broadcast_in_dim3A = arith.constant 0.000000e+00 : f32
    %broadcast_in_dim3A_22 = vector.broadcast %broadcast_in_dim3A : f32 to vector<16xf32>
    %swap3A = arith.constant 0 : index
    %swap3A_23 = tpu.vector_load %arg8[%swap3A] {strides = array<i32>} : memref<512xf32, #tpu.memory_space<vmem>>, vector<16xf32>,
    %swap3A_24 = vector.shape_cast %swap3A_23 : vector<16xf32> to vector<16xf32>
    %swap3A_25 = vector.shape_cast %broadcast_in_dim3A_22 : vector<16xf32> to vector<16xf32>
    tpu.vector_store %arg8[%swap3A], %swap3A_25 {strides = array<i32>} : memref<512xf32, #tpu.memory_space<vmem>>, vector<16xf32>,
    %swap3A_26 = arith.constant 16 : index
    %swap3A_27 = tpu.vector_load %arg8[%swap3A_26] {strides = array<i32>} : memref<512xf32, #tpu.memory_space<vmem>>, vector<16xf32>,
    %swap3A_28 = vector.shape_cast %swap3A_27 : vector<16xf32> to vector<16xf32>
    %swap3A_29 = vector.shape_cast %broadcast_in_dim3A_22 : vector<16xf32> to vector<16xf32>
    tpu.vector_store %arg8[%swap3A_26], %swap3A_29 {strides = array<i32>} : memref<512xf32, #tpu.memory_space<vmem>>, vector<16xf32>,
    %swap3A_30 = arith.constant 32 : index
    %swap3A_31 = tpu.vector_load %arg8[%swap3A_30] {strides = array<i32>} : memref<512xf32, #tpu.memory_space<vmem>>, vector<16xf32>,
    %swap3A_32 = vector.shape_cast %swap3A_31 : vector<16xf32> to vector<16xf32>
    %swap3A_33 = vector.shape_cast %broadcast_in_dim3A_22 : vector<16xf32> to vector<16xf32>
    tpu.vector_store %arg8[%swap3A_30], %swap3A_33 {strides = array<i32>} : memref<512xf32, #tpu.memory_space<vmem>>, vector<16xf32>,
    %swap3A_34 = arith.constant 48 : index
    %swap3A_35 = tpu.vector_load %arg8[%swap3A_34] {strides = array<i32>} : memref<512xf32, #tpu.memory_space<vmem>>, vector<16xf32>,
    %swap3A_36 = vector.shape_cast %swap3A_35 : vector<16xf32> to vector<16xf32>
    %swap3A_37 = vector.shape_cast %broadcast_in_dim3A_22 : vector<16xf32> to vector<16xf32>
    tpu.vector_store %arg8[%swap3A_34], %swap3A_37 {strides = array<i32>} : memref<512xf32, #tpu.memory_space<vmem>>, vector<16xf32>,
    %swap3A_38 = arith.constant 64 : index
    %swap3A_39 = tpu.vector_load %arg8[%swap3A_38] {strides = array<i32>} : memref<512xf32, #tpu.memory_space<vmem>>, vector<16xf32>,
    %swap3A_40 = vector.shape_cast %swap3A_39 : vector<16xf32> to vector<16xf32>
    %swap3A_41 = vector.shape_cast %broadcast_in_dim3A_22 : vector<16xf32> to vector<16xf32>
    tpu.vector_store %arg8[%swap3A_38], %swap3A_41 {strides = array<i32>} : memref<512xf32, #tpu.memory_space<vmem>>, vector<16xf32>,
    %swap3A_42 = arith.constant 80 : index
    %swap3A_43 = tpu.vector_load %arg8[%swap3A_42] {strides = array<i32>} : memref<512xf32, #tpu.memory_space<vmem>>, vector<16xf32>,
    %swap3A_44 = vector.shape_cast %swap3A_43 : vector<16xf32> to vector<16xf32>
    %swap3A_45 = vector.shape_cast %broadcast_in_dim3A_22 : vector<16xf32> to vector<16xf32>
    tpu.vector_store %arg8[%swap3A_42], %swap3A_45 {strides = array<i32>} : memref<512xf32, #tpu.memory_space<vmem>>, vector<16xf32>,
    %swap3A_46 = arith.constant 96 : index
    %swap3A_47 = tpu.vector_load %arg8[%swap3A_46] {strides = array<i32>} : memref<512xf32, #tpu.memory_space<vmem>>, vector<16xf32>,
    %swap3A_48 = vector.shape_cast %swap3A_47 : vector<16xf32> to vector<16xf32>
    %swap3A_49 = vector.shape_cast %broadcast_in_dim3A_22 : vector<16xf32> to vector<16xf32>
    tpu.vector_store %arg8[%swap3A_46], %swap3A_49 {strides = array<i32>} : memref<512xf32, #tpu.memory_space<vmem>>, vector<16xf32>,
    %swap3A_50 = arith.constant 112 : index
    %swap3A_51 = tpu.vector_load %arg8[%swap3A_50] {strides = array<i32>} : memref<512xf32, #tpu.memory_space<vmem>>, vector<16xf32>,
    %swap3A_52 = vector.shape_cast %swap3A_51 : vector<16xf32> to vector<16xf32>
    %swap3A_53 = vector.shape_cast %broadcast_in_dim3A_22 : vector<16xf32> to vector<16xf32>
    tpu.vector_store %arg8[%swap3A_50], %swap3A_53 {strides = array<i32>} : memref<512xf32, #tpu.memory_space<vmem>>, vector<16xf32>,
    %swap3A_54 = arith.constant 128 : index
    %swap3A_55 = tpu.vector_load %arg8[%swap3A_54] {strides = array<i32>} : memref<512xf32, #tpu.memory_space<vmem>>, vector<16xf32>,
    %swap3A_56 = vector.shape_cast %swap3A_55 : vector<16xf32> to vector<16xf32>
    %swap3A_57 = vector.shape_cast %broadcast_in_dim3A_22 : vector<16xf32> to vector<16xf32>
    tpu.vector_store %arg8[%swap3A_54], %swap3A_57 {strides = array<i32>} : memref<512xf32, #tpu.memory_space<vmem>>, vector<16xf32>,
    %swap3A_58 = arith.constant 144 : index
    %swap3A_59 = tpu.vector_load %arg8[%swap3A_58] {strides = array<i32>} : memref<512xf32, #tpu.memory_space<vmem>>, vector<16xf32>,
    %swap3A_60 = vector.shape_cast %swap3A_59 : vector<16xf32> to vector<16xf32>
    %swap3A_61 = vector.shape_cast %broadcast_in_dim3A_22 : vector<16xf32> to vector<16xf32>
    tpu.vector_store %arg8[%swap3A_58], %swap3A_61 {strides = array<i32>} : memref<512xf32, #tpu.memory_space<vmem>>, vector<16xf32>,
    %swap3A_62 = arith.constant 160 : index
    %swap3A_63 = tpu.vector_load %arg8[%swap3A_62] {strides = array<i32>} : memref<512xf32, #tpu.memory_space<vmem>>, vector<16xf32>,
    %swap3A_64 = vector.shape_cast %swap3A_63 : vector<16xf32> to vector<16xf32>
    %swap3A_65 = vector.shape_cast %broadcast_in_dim3A_22 : vector<16xf32> to vector<16xf32>
    tpu.vector_store %arg8[%swap3A_62], %swap3A_65 {strides = array<i32>} : memref<512xf32, #tpu.memory_space<vmem>>, vector<16xf32>,
    %swap3A_66 = arith.constant 176 : index
    %swap3A_67 = tpu.vector_load %arg8[%swap3A_66] {strides = array<i32>} : memref<512xf32, #tpu.memory_space<vmem>>, vector<16xf32>,
    %swap3A_68 = vector.shape_cast %swap3A_67 : vector<16xf32> to vector<16xf32>
    %swap3A_69 = vector.shape_cast %broadcast_in_dim3A_22 : vector<16xf32> to vector<16xf32>
    tpu.vector_store %arg8[%swap3A_66], %swap3A_69 {strides = array<i32>} : memref<512xf32, #tpu.memory_space<vmem>>, vector<16xf32>,
    %swap3A_70 = arith.constant 192 : index
    %swap3A_71 = tpu.vector_load %arg8[%swap3A_70] {strides = array<i32>} : memref<512xf32, #tpu.memory_space<vmem>>, vector<16xf32>,
    %swap3A_72 = vector.shape_cast %swap3A_71 : vector<16xf32> to vector<16xf32>
    %swap3A_73 = vector.shape_cast %broadcast_in_dim3A_22 : vector<16xf32> to vector<16xf32>
    tpu.vector_store %arg8[%swap3A_70], %swap3A_73 {strides = array<i32>} : memref<512xf32, #tpu.memory_space<vmem>>, vector<16xf32>,
    %swap3A_74 = arith.constant 208 : index
    %swap3A_75 = tpu.vector_load %arg8[%swap3A_74] {strides = array<i32>} : memref<512xf32, #tpu.memory_space<vmem>>, vector<16xf32>,
    %swap3A_76 = vector.shape_cast %swap3A_75 : vector<16xf32> to vector<16xf32>
    %swap3A_77 = vector.shape_cast %broadcast_in_dim3A_22 : vector<16xf32> to vector<16xf32>
    tpu.vector_store %arg8[%swap3A_74], %swap3A_77 {strides = array<i32>} : memref<512xf32, #tpu.memory_space<vmem>>, vector<16xf32>,
    %swap3A_78 = arith.constant 224 : index
    %swap3A_79 = tpu.vector_load %arg8[%swap3A_78] {strides = array<i32>} : memref<512xf32, #tpu.memory_space<vmem>>, vector<16xf32>,
    %swap3A_80 = vector.shape_cast %swap3A_79 : vector<16xf32> to vector<16xf32>
    %swap3A_81 = vector.shape_cast %broadcast_in_dim3A_22 : vector<16xf32> to vector<16xf32>
    tpu.vector_store %arg8[%swap3A_78], %swap3A_81 {strides = array<i32>} : memref<512xf32, #tpu.memory_space<vmem>>, vector<16xf32>,
    %swap3A_82 = arith.constant 240 : index
    %swap3A_83 = tpu.vector_load %arg8[%swap3A_82] {strides = array<i32>} : memref<512xf32, #tpu.memory_space<vmem>>, vector<16xf32>,
    %swap3A_84 = vector.shape_cast %swap3A_83 : vector<16xf32> to vector<16xf32>
    %swap3A_85 = vector.shape_cast %broadcast_in_dim3A_22 : vector<16xf32> to vector<16xf32>
    tpu.vector_store %arg8[%swap3A_82], %swap3A_85 {strides = array<i32>} : memref<512xf32, #tpu.memory_space<vmem>>, vector<16xf32>,
    %swap3A_86 = arith.constant 256 : index
    %swap3A_87 = tpu.vector_load %arg8[%swap3A_86] {strides = array<i32>} : memref<512xf32, #tpu.memory_space<vmem>>, vector<16xf32>,
    %swap3A_88 = vector.shape_cast %swap3A_87 : vector<16xf32> to vector<16xf32>
    %swap3A_89 = vector.shape_cast %broadcast_in_dim3A_22 : vector<16xf32> to vector<16xf32>
    tpu.vector_store %arg8[%swap3A_86], %swap3A_89 {strides = array<i32>} : memref<512xf32, #tpu.memory_space<vmem>>, vector<16xf32>,
    %swap3A_90 = arith.constant 272 : index
    %swap3A_91 = tpu.vector_load %arg8[%swap3A_90] {strides = array<i32>} : memref<512xf32, #tpu.memory_space<vmem>>, vector<16xf32>,
    %swap3A_92 = vector.shape_cast %swap3A_91 : vector<16xf32> to vector<16xf32>
    %swap3A_93 = vector.shape_cast %broadcast_in_dim3A_22 : vector<16xf32> to vector<16xf32>
    tpu.vector_store %arg8[%swap3A_90], %swap3A_93 {strides = array<i32>} : memref<512xf32, #tpu.memory_space<vmem>>, vector<16xf32>,
    %swap3A_94 = arith.constant 288 : index
    %swap3A_95 = tpu.vector_load %arg8[%swap3A_94] {strides = array<i32>} : memref<512xf32, #tpu.memory_space<vmem>>, vector<16xf32>,
    %swap3A_96 = vector.shape_cast %swap3A_95 : vector<16xf32> to vector<16xf32>
    %swap3A_97 = vector.shape_cast %broadcast_in_dim3A_22 : vector<16xf32> to vector<16xf32>
    tpu.vector_store %arg8[%swap3A_94], %swap3A_97 {strides = array<i32>} : memref<512xf32, #tpu.memory_space<vmem>>, vector<16xf32>,
    %swap3A_98 = arith.constant 304 : index
    %swap3A_99 = tpu.vector_load %arg8[%swap3A_98] {strides = array<i32>} : memref<512xf32, #tpu.memory_space<vmem>>, vector<16xf32>,
    %swap3A_100 = vector.shape_cast %swap3A_99 : vector<16xf32> to vector<16xf32>
    %swap3A_101 = vector.shape_cast %broadcast_in_dim3A_22 : vector<16xf32> to vector<16xf32>
    tpu.vector_store %arg8[%swap3A_98], %swap3A_101 {strides = array<i32>} : memref<512xf32, #tpu.memory_space<vmem>>, vector<16xf32>,
    %swap3A_102 = arith.constant 320 : index
    %swap3A_103 = tpu.vector_load %arg8[%swap3A_102] {strides = array<i32>} : memref<512xf32, #tpu.memory_space<vmem>>, vector<16xf32>,
    %swap3A_104 = vector.shape_cast %swap3A_103 : vector<16xf32> to vector<16xf32>
    %swap3A_105 = vector.shape_cast %broadcast_in_dim3A_22 : vector<16xf32> to vector<16xf32>
    tpu.vector_store %arg8[%swap3A_102], %swap3A_105 {strides = array<i32>} : memref<512xf32, #tpu.memory_space<vmem>>, vector<16xf32>,
    %swap3A_106 = arith.constant 336 : index
    %swap3A_107 = tpu.vector_load %arg8[%swap3A_106] {strides = array<i32>} : memref<512xf32, #tpu.memory_space<vmem>>, vector<16xf32>,
    %swap3A_108 = vector.shape_cast %swap3A_107 : vector<16xf32> to vector<16xf32>
    %swap3A_109 = vector.shape_cast %broadcast_in_dim3A_22 : vector<16xf32> to vector<16xf32>
    tpu.vector_store %arg8[%swap3A_106], %swap3A_109 {strides = array<i32>} : memref<512xf32, #tpu.memory_space<vmem>>, vector<16xf32>,
    %swap3A_110 = arith.constant 352 : index
    %swap3A_111 = tpu.vector_load %arg8[%swap3A_110] {strides = array<i32>} : memref<512xf32, #tpu.memory_space<vmem>>, vector<16xf32>,
    %swap3A_112 = vector.shape_cast %swap3A_111 : vector<16xf32> to vector<16xf32>
    %swap3A_113 = vector.shape_cast %broadcast_in_dim3A_22 : vector<16xf32> to vector<16xf32>
    tpu.vector_store %arg8[%swap3A_110], %swap3A_113 {strides = array<i32>} : memref<512xf32, #tpu.memory_space<vmem>>, vector<16xf32>,
    %swap3A_114 = arith.constant 368 : index
    %swap3A_115 = tpu.vector_load %arg8[%swap3A_114] {strides = array<i32>} : memref<512xf32, #tpu.memory_space<vmem>>, vector<16xf32>,
    %swap3A_116 = vector.shape_cast %swap3A_115 : vector<16xf32> to vector<16xf32>
    %swap3A_117 = vector.shape_cast %broadcast_in_dim3A_22 : vector<16xf32> to vector<16xf32>
    tpu.vector_store %arg8[%swap3A_114], %swap3A_117 {strides = array<i32>} : memref<512xf32, #tpu.memory_space<vmem>>, vector<16xf32>,
    %swap3A_118 = arith.constant 384 : index
    %swap3A_119 = tpu.vector_load %arg8[%swap3A_118] {strides = array<i32>} : memref<512xf32, #tpu.memory_space<vmem>>, vector<16xf32>,
    %swap3A_120 = vector.shape_cast %swap3A_119 : vector<16xf32> to vector<16xf32>
    %swap3A_121 = vector.shape_cast %broadcast_in_dim3A_22 : vector<16xf32> to vector<16xf32>
    tpu.vector_store %arg8[%swap3A_118], %swap3A_121 {strides = array<i32>} : memref<512xf32, #tpu.memory_space<vmem>>, vector<16xf32>,
    %swap3A_122 = arith.constant 400 : index
    %swap3A_123 = tpu.vector_load %arg8[%swap3A_122] {strides = array<i32>} : memref<512xf32, #tpu.memory_space<vmem>>, vector<16xf32>,
    %swap3A_124 = vector.shape_cast %swap3A_123 : vector<16xf32> to vector<16xf32>
    %swap3A_125 = vector.shape_cast %broadcast_in_dim3A_22 : vector<16xf32> to vector<16xf32>
    tpu.vector_store %arg8[%swap3A_122], %swap3A_125 {strides = array<i32>} : memref<512xf32, #tpu.memory_space<vmem>>, vector<16xf32>,
    %swap3A_126 = arith.constant 416 : index
    %swap3A_127 = tpu.vector_load %arg8[%swap3A_126] {strides = array<i32>} : memref<512xf32, #tpu.memory_space<vmem>>, vector<16xf32>,
    %swap3A_128 = vector.shape_cast %swap3A_127 : vector<16xf32> to vector<16xf32>
    %swap3A_129 = vector.shape_cast %broadcast_in_dim3A_22 : vector<16xf32> to vector<16xf32>
    tpu.vector_store %arg8[%swap3A_126], %swap3A_129 {strides = array<i32>} : memref<512xf32, #tpu.memory_space<vmem>>, vector<16xf32>,
    %swap3A_130 = arith.constant 432 : index
    %swap3A_131 = tpu.vector_load %arg8[%swap3A_130] {strides = array<i32>} : memref<512xf32, #tpu.memory_space<vmem>>, vector<16xf32>,
    %swap3A_132 = vector.shape_cast %swap3A_131 : vector<16xf32> to vector<16xf32>
    %swap3A_133 = vector.shape_cast %broadcast_in_dim3A_22 : vector<16xf32> to vector<16xf32>
    tpu.vector_store %arg8[%swap3A_130], %swap3A_133 {strides = array<i32>} : memref<512xf32, #tpu.memory_space<vmem>>, vector<16xf32>,
    %swap3A_134 = arith.constant 448 : index
    %swap3A_135 = tpu.vector_load %arg8[%swap3A_134] {strides = array<i32>} : memref<512xf32, #tpu.memory_space<vmem>>, vector<16xf32>,
    %swap3A_136 = vector.shape_cast %swap3A_135 : vector<16xf32> to vector<16xf32>
    %swap3A_137 = vector.shape_cast %broadcast_in_dim3A_22 : vector<16xf32> to vector<16xf32>
    tpu.vector_store %arg8[%swap3A_134], %swap3A_137 {strides = array<i32>} : memref<512xf32, #tpu.memory_space<vmem>>, vector<16xf32>,
    %swap3A_138 = arith.constant 464 : index
    %swap3A_139 = tpu.vector_load %arg8[%swap3A_138] {strides = array<i32>} : memref<512xf32, #tpu.memory_space<vmem>>, vector<16xf32>,
    %swap3A_140 = vector.shape_cast %swap3A_139 : vector<16xf32> to vector<16xf32>
    %swap3A_141 = vector.shape_cast %broadcast_in_dim3A_22 : vector<16xf32> to vector<16xf32>
    tpu.vector_store %arg8[%swap3A_138], %swap3A_141 {strides = array<i32>} : memref<512xf32, #tpu.memory_space<vmem>>, vector<16xf32>,
    %swap3A_142 = arith.constant 480 : index
    %swap3A_143 = tpu.vector_load %arg8[%swap3A_142] {strides = array<i32>} : memref<512xf32, #tpu.memory_space<vmem>>, vector<16xf32>,
    %swap3A_144 = vector.shape_cast %swap3A_143 : vector<16xf32> to vector<16xf32>
    %swap3A_145 = vector.shape_cast %broadcast_in_dim3A_22 : vector<16xf32> to vector<16xf32>
    tpu.vector_store %arg8[%swap3A_142], %swap3A_145 {strides = array<i32>} : memref<512xf32, #tpu.memory_space<vmem>>, vector<16xf32>,
    %swap3A_146 = arith.constant 496 : index
    %swap3A_147 = tpu.vector_load %arg8[%swap3A_146] {strides = array<i32>} : memref<512xf32, #tpu.memory_space<vmem>>, vector<16xf32>,
    %swap3A_148 = vector.shape_cast %swap3A_147 : vector<16xf32> to vector<16xf32>
    %swap3A_149 = vector.shape_cast %broadcast_in_dim3A_22 : vector<16xf32> to vector<16xf32>
    tpu.vector_store %arg8[%swap3A_146], %swap3A_149 {strides = array<i32>} : memref<512xf32, #tpu.memory_space<vmem>>, vector<16xf32>,
    %broadcast_in_dim3A_150 = arith.constant 1.000000e+00 : f32
    %broadcast_in_dim3A_151 = vector.broadcast %broadcast_in_dim3A_150 : f32 to vector<16xf32>
    %swap3A_152 = arith.constant 0 : index
    %swap3A_153 = tpu.vector_load %arg9[%swap3A_152] {strides = array<i32>} : memref<128xf32, #tpu.memory_space<vmem>>, vector<16xf32>,
    %swap3A_154 = vector.shape_cast %swap3A_153 : vector<16xf32> to vector<16xf32>
    %swap3A_155 = vector.shape_cast %broadcast_in_dim3A_151 : vector<16xf32> to vector<16xf32>
    tpu.vector_store %arg9[%swap3A_152], %swap3A_155 {strides = array<i32>} : memref<128xf32, #tpu.memory_space<vmem>>, vector<16xf32>,
    %swap3A_156 = arith.constant 16 : index
    %swap3A_157 = tpu.vector_load %arg9[%swap3A_156] {strides = array<i32>} : memref<128xf32, #tpu.memory_space<vmem>>, vector<16xf32>,
    %swap3A_158 = vector.shape_cast %swap3A_157 : vector<16xf32> to vector<16xf32>
    %swap3A_159 = vector.shape_cast %broadcast_in_dim3A_151 : vector<16xf32> to vector<16xf32>
    tpu.vector_store %arg9[%swap3A_156], %swap3A_159 {strides = array<i32>} : memref<128xf32, #tpu.memory_space<vmem>>, vector<16xf32>,
    %swap3A_160 = arith.constant 32 : index
    %swap3A_161 = tpu.vector_load %arg9[%swap3A_160] {strides = array<i32>} : memref<128xf32, #tpu.memory_space<vmem>>, vector<16xf32>,
    %swap3A_162 = vector.shape_cast %swap3A_161 : vector<16xf32> to vector<16xf32>
    %swap3A_163 = vector.shape_cast %broadcast_in_dim3A_151 : vector<16xf32> to vector<16xf32>
    tpu.vector_store %arg9[%swap3A_160], %swap3A_163 {strides = array<i32>} : memref<128xf32, #tpu.memory_space<vmem>>, vector<16xf32>,
    %swap3A_164 = arith.constant 48 : index
    %swap3A_165 = tpu.vector_load %arg9[%swap3A_164] {strides = array<i32>} : memref<128xf32, #tpu.memory_space<vmem>>, vector<16xf32>,
    %swap3A_166 = vector.shape_cast %swap3A_165 : vector<16xf32> to vector<16xf32>
    %swap3A_167 = vector.shape_cast %broadcast_in_dim3A_151 : vector<16xf32> to vector<16xf32>
    tpu.vector_store %arg9[%swap3A_164], %swap3A_167 {strides = array<i32>} : memref<128xf32, #tpu.memory_space<vmem>>, vector<16xf32>,
    %swap3A_168 = arith.constant 64 : index
    %swap3A_169 = tpu.vector_load %arg9[%swap3A_168] {strides = array<i32>} : memref<128xf32, #tpu.memory_space<vmem>>, vector<16xf32>,
    %swap3A_170 = vector.shape_cast %swap3A_169 : vector<16xf32> to vector<16xf32>
    %swap3A_171 = vector.shape_cast %broadcast_in_dim3A_151 : vector<16xf32> to vector<16xf32>
    tpu.vector_store %arg9[%swap3A_168], %swap3A_171 {strides = array<i32>} : memref<128xf32, #tpu.memory_space<vmem>>, vector<16xf32>,
    %swap3A_172 = arith.constant 80 : index
    %swap3A_173 = tpu.vector_load %arg9[%swap3A_172] {strides = array<i32>} : memref<128xf32, #tpu.memory_space<vmem>>, vector<16xf32>,
    %swap3A_174 = vector.shape_cast %swap3A_173 : vector<16xf32> to vector<16xf32>
    %swap3A_175 = vector.shape_cast %broadcast_in_dim3A_151 : vector<16xf32> to vector<16xf32>
    tpu.vector_store %arg9[%swap3A_172], %swap3A_175 {strides = array<i32>} : memref<128xf32, #tpu.memory_space<vmem>>, vector<16xf32>,
    %swap3A_176 = arith.constant 96 : index
    %swap3A_177 = tpu.vector_load %arg9[%swap3A_176] {strides = array<i32>} : memref<128xf32, #tpu.memory_space<vmem>>, vector<16xf32>,
    %swap3A_178 = vector.shape_cast %swap3A_177 : vector<16xf32> to vector<16xf32>
    %swap3A_179 = vector.shape_cast %broadcast_in_dim3A_151 : vector<16xf32> to vector<16xf32>
    tpu.vector_store %arg9[%swap3A_176], %swap3A_179 {strides = array<i32>} : memref<128xf32, #tpu.memory_space<vmem>>, vector<16xf32>,
    %swap3A_180 = arith.constant 112 : index
    %swap3A_181 = tpu.vector_load %arg9[%swap3A_180] {strides = array<i32>} : memref<128xf32, #tpu.memory_space<vmem>>, vector<16xf32>,
    %swap3A_182 = vector.shape_cast %swap3A_181 : vector<16xf32> to vector<16xf32>
    %swap3A_183 = vector.shape_cast %broadcast_in_dim3A_151 : vector<16xf32> to vector<16xf32>
    tpu.vector_store %arg9[%swap3A_180], %swap3A_183 {strides = array<i32>} : memref<128xf32, #tpu.memory_space<vmem>>, vector<16xf32>,
    %mul3A_184 = arith.constant 512 : i32
    %mul3A_185 = arith.muli %arg1, %mul3A_184 : i32
    "tpu.region"() ({
      %run_scoped3A_209 = tpu.sem_alloc : memref<!tpu.dma_semaphore, #tpu.memory_space<semaphore_mem>>
      %dma_start3A_210 = tpu.memref_slice %arg10[%mul3A_185] : memref<8192xf32, #tpu.memory_space<vmem_shared>> -> memref<512xf32, #tpu.memory_space<vmem_shared>>
      %dma_start3A_211 = tpu.memref_slice %arg10[%mul3A_185] : memref<8192xf32, #tpu.memory_space<vmem_shared>> -> memref<512xf32, #tpu.memory_space<vmem_shared>>
      tpu.enqueue_dma source(%arg8 : memref<512xf32, #tpu.memory_space<vmem>>) target(%dma_start3A_211 : memref<512xf32, #tpu.memory_space<vmem_shared>>) target_semaphore(%run_scoped3A_209 : memref<!tpu.dma_semaphore, #tpu.memory_space<semaphore_mem>>)
      %dma_wait3A_212 = tpu.memref_slice %arg10[%mul3A_185] : memref<8192xf32, #tpu.memory_space<vmem_shared>> -> memref<512xf32, #tpu.memory_space<vmem_shared>>
      %dma_wait3A_213 = tpu.memref_slice %arg10[%mul3A_185] : memref<8192xf32, #tpu.memory_space<vmem_shared>> -> memref<512xf32, #tpu.memory_space<vmem_shared>>
      tpu.wait_dma2 semaphore(%run_scoped3A_209 : memref<!tpu.dma_semaphore, #tpu.memory_space<semaphore_mem>>) src(%arg8 : memref<512xf32, #tpu.memory_space<vmem>>) dst(%dma_wait3A_213 : memref<512xf32, #tpu.memory_space<vmem_shared>>)
      tpu.yield
    }) : () -> ()
    %barrier3A = arith.constant 0 : index
    tpu.barrier barrier_id(%barrier3A)
    %run_scoped3A = arith.constant 0 : i32
    "tpu.region"() ({
      %run_scoped3A_209 = tpu.sem_alloc : memref<!tpu.dma_semaphore, #tpu.memory_space<semaphore_mem>>
      %dma_start3A_210 = arith.constant 0 : i32
      %dma_start3A_211 = tpu.memref_slice %arg6[%run_scoped3A, %dma_start3A_210] : memref<2x128xi32, #tpu.memory_space<vmem>> -> memref<1x128xi32, #tpu.memory_space<vmem>>
      %dma_start3A_212 = tpu.memref_squeeze %dma_start3A_211 : memref<1x128xi32, #tpu.memory_space<vmem>> -> memref<128xi32, #tpu.memory_space<vmem>>
      %dma_start3A_213 = arith.constant 0 : i32
      %dma_start3A_214 = tpu.memref_slice %arg10[%dma_start3A_213] : memref<8192xf32, #tpu.memory_space<vmem_shared>> -> memref<8192xf32, #tpu.memory_space<vmem_shared>>
      tpu.enqueue_indirect_dma source(%arg9 : memref<128xf32, #tpu.memory_space<vmem>>) target(%dma_start3A_214 : memref<8192xf32, #tpu.memory_space<vmem_shared>>) offsets(%dma_start3A_212 : memref<128xi32, #tpu.memory_space<vmem>>) semaphore(%run_scoped3A_209 : memref<!tpu.dma_semaphore, #tpu.memory_space<semaphore_mem>>) {add = true}
      %dma_wait3A_215 = arith.constant 0 : i32
      %dma_wait3A_216 = tpu.memref_slice %arg6[%run_scoped3A, %dma_wait3A_215] : memref<2x128xi32, #tpu.memory_space<vmem>> -> memref<1x128xi32, #tpu.memory_space<vmem>>
      %dma_wait3A_217 = tpu.memref_squeeze %dma_wait3A_216 : memref<1x128xi32, #tpu.memory_space<vmem>> -> memref<128xi32, #tpu.memory_space<vmem>>
      %dma_wait3A_218 = arith.constant 0 : i32
      %dma_wait3A_219 = tpu.memref_slice %arg10[%dma_wait3A_218] : memref<8192xf32, #tpu.memory_space<vmem_shared>> -> memref<8192xf32, #tpu.memory_space<vmem_shared>>
      tpu.wait_indirect_dma semaphore(%run_scoped3A_209 : memref<!tpu.dma_semaphore, #tpu.memory_space<semaphore_mem>>) src(%arg9 : memref<128xf32, #tpu.memory_space<vmem>>) dst(%dma_wait3A_219 : memref<8192xf32, #tpu.memory_space<vmem_shared>>)
      tpu.yield
    }) : () -> ()
    %run_scoped3A_186 = arith.constant 1 : i32
    "tpu.region"() ({
      %run_scoped3A_209 = tpu.sem_alloc : memref<!tpu.dma_semaphore, #tpu.memory_space<semaphore_mem>>
      %dma_start3A_210 = arith.constant 0 : i32
      %dma_start3A_211 = tpu.memref_slice %arg6[%run_scoped3A_186, %dma_start3A_210] : memref<2x128xi32, #tpu.memory_space<vmem>> -> memref<1x128xi32, #tpu.memory_space<vmem>>
      %dma_start3A_212 = tpu.memref_squeeze %dma_start3A_211 : memref<1x128xi32, #tpu.memory_space<vmem>> -> memref<128xi32, #tpu.memory_space<vmem>>
      %dma_start3A_213 = arith.constant 0 : i32
      %dma_start3A_214 = tpu.memref_slice %arg10[%dma_start3A_213] : memref<8192xf32, #tpu.memory_space<vmem_shared>> -> memref<8192xf32, #tpu.memory_space<vmem_shared>>
      tpu.enqueue_indirect_dma source(%arg9 : memref<128xf32, #tpu.memory_space<vmem>>) target(%dma_start3A_214 : memref<8192xf32, #tpu.memory_space<vmem_shared>>) offsets(%dma_start3A_212 : memref<128xi32, #tpu.memory_space<vmem>>) semaphore(%run_scoped3A_209 : memref<!tpu.dma_semaphore, #tpu.memory_space<semaphore_mem>>) {add = true}
      %dma_wait3A_215 = arith.constant 0 : i32
      %dma_wait3A_216 = tpu.memref_slice %arg6[%run_scoped3A_186, %dma_wait3A_215] : memref<2x128xi32, #tpu.memory_space<vmem>> -> memref<1x128xi32, #tpu.memory_space<vmem>>
      %dma_wait3A_217 = tpu.memref_squeeze %dma_wait3A_216 : memref<1x128xi32, #tpu.memory_space<vmem>> -> memref<128xi32, #tpu.memory_space<vmem>>
      %dma_wait3A_218 = arith.constant 0 : i32
      %dma_wait3A_219 = tpu.memref_slice %arg10[%dma_wait3A_218] : memref<8192xf32, #tpu.memory_space<vmem_shared>> -> memref<8192xf32, #tpu.memory_space<vmem_shared>>
      tpu.wait_indirect_dma semaphore(%run_scoped3A_209 : memref<!tpu.dma_semaphore, #tpu.memory_space<semaphore_mem>>) src(%arg9 : memref<128xf32, #tpu.memory_space<vmem>>) dst(%dma_wait3A_219 : memref<8192xf32, #tpu.memory_space<vmem_shared>>)
      tpu.yield
    }) : () -> ()
    %barrier3A_187 = arith.constant 0 : index
    tpu.barrier barrier_id(%barrier3A_187)
    %eq3A = arith.constant 0 : i32
    %eq3A_188 = arith.cmpi eq, %arg1, %eq3A : i32
    %convert_element_type3A = arith.extui %eq3A_188 : i1 to i32
    %cond3A = arith.constant 0 : i32
    %cond3A_189 = arith.cmpi ne, %convert_element_type3A, %cond3A : i32
    scf.if %cond3A_189 {
      "tpu.region"() ({
        %run_scoped3A_209 = tpu.sem_alloc : memref<!tpu.dma_semaphore, #tpu.memory_space<semaphore_mem>>
        %dma_start3A_210 = arith.constant 0 : i32
        %dma_start3A_211 = tpu.memref_slice %arg5[%arg0, %dma_start3A_210] : memref<2x8192xf32, #tpu.memory_space<hbm>> -> memref<1x8192xf32, #tpu.memory_space<hbm>>
        %dma_start3A_212 = tpu.memref_squeeze %dma_start3A_211 : memref<1x8192xf32, #tpu.memory_space<hbm>> -> memref<8192xf32, #tpu.memory_space<hbm>>
        tpu.enqueue_dma source(%arg10 : memref<8192xf32, #tpu.memory_space<vmem_shared>>) target(%dma_start3A_212 : memref<8192xf32, #tpu.memory_space<hbm>>) target_semaphore(%run_scoped3A_209 : memref<!tpu.dma_semaphore, #tpu.memory_space<semaphore_mem>>)
        %dma_wait3A_213 = arith.constant 0 : i32
        %dma_wait3A_214 = tpu.memref_slice %arg5[%arg0, %dma_wait3A_213] : memref<2x8192xf32, #tpu.memory_space<hbm>> -> memref<1x8192xf32, #tpu.memory_space<hbm>>
        %dma_wait3A_215 = tpu.memref_squeeze %dma_wait3A_214 : memref<1x8192xf32, #tpu.memory_space<hbm>> -> memref<8192xf32, #tpu.memory_space<hbm>>
        tpu.wait_dma2 semaphore(%run_scoped3A_209 : memref<!tpu.dma_semaphore, #tpu.memory_space<semaphore_mem>>) src(%arg10 : memref<8192xf32, #tpu.memory_space<vmem_shared>>) dst(%dma_wait3A_215 : memref<8192xf32, #tpu.memory_space<hbm>>)
        tpu.yield
      }) : () -> ()
    } else {
    }
    %dma_wait3A = arith.constant 0 : i32
    %dma_wait3A_190 = arith.constant 0 : i32
    %dma_wait3A_191 = arith.constant 0 : i32
    %dma_wait3A_192 = tpu.memref_slice %arg7[%dma_wait3A_190, %dma_wait3A_191] : memref<256x128xf32, #tpu.memory_space<vmem>> -> memref<128x128xf32, #tpu.memory_space<vmem>>
    %dma_wait3A_193 = arith.constant 0 : i32
    %dma_wait3A_194 = tpu.memref_slice %arg6[%dma_wait3A, %dma_wait3A_193] : memref<2x128xi32, #tpu.memory_space<vmem>> -> memref<1x128xi32, #tpu.memory_space<vmem>>
    %dma_wait3A_195 = tpu.memref_squeeze %dma_wait3A_194 : memref<1x128xi32, #tpu.memory_space<vmem>> -> memref<128xi32, #tpu.memory_space<vmem>>
    %dma_wait3A_196 = arith.constant 0 : i32
    %dma_wait3A_197 = arith.constant 0 : i32
    %dma_wait3A_198 = tpu.memref_slice %arg2[%dma_wait3A_196, %dma_wait3A_197] : memref<8192x128xf32, #tpu.memory_space<hbm>> -> memref<8192x128xf32, #tpu.memory_space<hbm>>
    tpu.wait_indirect_dma semaphore(%arg11 : memref<!tpu.dma_semaphore, #tpu.memory_space<semaphore_mem>>) src(%dma_wait3A_198 : memref<8192x128xf32, #tpu.memory_space<hbm>>) dst(%dma_wait3A_192 : memref<128x128xf32, #tpu.memory_space<vmem>>)
    %dma_wait3A_199 = arith.constant 1 : i32
    %dma_wait3A_200 = arith.constant 128 : i32
    %dma_wait3A_201 = arith.constant 0 : i32
    %dma_wait3A_202 = tpu.memref_slice %arg7[%dma_wait3A_200, %dma_wait3A_201] : memref<256x128xf32, #tpu.memory_space<vmem>> -> memref<128x128xf32, #tpu.memory_space<vmem>>
    %dma_wait3A_203 = arith.constant 0 : i32
    %dma_wait3A_204 = tpu.memref_slice %arg6[%dma_wait3A_199, %dma_wait3A_203] : memref<2x128xi32, #tpu.memory_space<vmem>> -> memref<1x128xi32, #tpu.memory_space<vmem>>
    %dma_wait3A_205 = tpu.memref_squeeze %dma_wait3A_204 : memref<1x128xi32, #tpu.memory_space<vmem>> -> memref<128xi32, #tpu.memory_space<vmem>>
    %dma_wait3A_206 = arith.constant 0 : i32
    %dma_wait3A_207 = arith.constant 0 : i32
    %dma_wait3A_208 = tpu.memref_slice %arg2[%dma_wait3A_206, %dma_wait3A_207] : memref<8192x128xf32, #tpu.memory_space<hbm>> -> memref<8192x128xf32, #tpu.memory_space<hbm>>
    tpu.wait_indirect_dma semaphore(%arg11 : memref<!tpu.dma_semaphore, #tpu.memory_space<semaphore_mem>>) src(%dma_wait3A_208 : memref<8192x128xf32, #tpu.memory_space<hbm>>) dst(%dma_wait3A_202 : memref<128x128xf32, #tpu.memory_space<vmem>>)
    "tpu.region"() ({
      %run_scoped3A_209 = tpu.sem_alloc : memref<!tpu.dma_semaphore, #tpu.memory_space<semaphore_mem>>
      %dma_start3A_210 = arith.constant 0 : i32
      %dma_start3A_211 = tpu.memref_slice %arg4[%mul3A_2, %dma_start3A_210] : memref<8192x128xf32, #tpu.memory_space<hbm>> -> memref<256x128xf32, #tpu.memory_space<hbm>>
      %dma_start3A_212 = arith.constant 0 : i32
      %dma_start3A_213 = tpu.memref_slice %arg4[%mul3A_2, %dma_start3A_212] : memref<8192x128xf32, #tpu.memory_space<hbm>> -> memref<256x128xf32, #tpu.memory_space<hbm>>
      tpu.enqueue_dma source(%arg7 : memref<256x128xf32, #tpu.memory_space<vmem>>) target(%dma_start3A_213 : memref<256x128xf32, #tpu.memory_space<hbm>>) target_semaphore(%run_scoped3A_209 : memref<!tpu.dma_semaphore, #tpu.memory_space<semaphore_mem>>)
      %dma_wait3A_214 = arith.constant 0 : i32
      %dma_wait3A_215 = tpu.memref_slice %arg4[%mul3A_2, %dma_wait3A_214] : memref<8192x128xf32, #tpu.memory_space<hbm>> -> memref<256x128xf32, #tpu.memory_space<hbm>>
      %dma_wait3A_216 = arith.constant 0 : i32
      %dma_wait3A_217 = tpu.memref_slice %arg4[%mul3A_2, %dma_wait3A_216] : memref<8192x128xf32, #tpu.memory_space<hbm>> -> memref<256x128xf32, #tpu.memory_space<hbm>>
      tpu.wait_dma2 semaphore(%run_scoped3A_209 : memref<!tpu.dma_semaphore, #tpu.memory_space<semaphore_mem>>) src(%arg7 : memref<256x128xf32, #tpu.memory_space<vmem>>) dst(%dma_wait3A_217 : memref<256x128xf32, #tpu.memory_space<hbm>>)
      tpu.yield
    }) : () -> ()
    return
  }
}

module attributes {stable_mosaic.version = 14 : i64} {
  func.func @_vq_body(%arg0: i32, %arg1: memref<512x32xf32, #tpu.memory_space<vmem>>, %arg2: memref<512x32xbf16, #tpu.memory_space<vmem>>, %arg3: memref<8192x32xf32, #tpu.memory_space<vmem>>, %arg4: memref<8192x32xbf16, #tpu.memory_space<vmem>>, %arg5: memref<2x2x128xi32, #tpu.memory_space<vmem>>, %arg6: memref<1x1xf32, #tpu.memory_space<vmem>>, %arg7: memref<1x8192xf32, #tpu.memory_space<vmem>>, %arg8: memref<1xf32, #tpu.memory_space<smem>>) attributes {dimension_semantics = [#tpu.dimension_semantics<arbitrary>], iteration_bounds = array<i64: 16>, scalar_prefetch = 0 : i64, scratch_operands = 2 : i64, tpu.core_type = #tpu.core_type<tc>, window_params = [{transform_indices = @transform_0, window_bounds = array<i64: 512, 32>}, {transform_indices = @transform_1, window_bounds = array<i64: 512, 32>}, {pipeline_mode = #tpu.pipeline_mode<synchronous>, transform_indices = @transform_2, window_bounds = array<i64: 8192, 32>}, {pipeline_mode = #tpu.pipeline_mode<synchronous>, transform_indices = @transform_3, window_bounds = array<i64: 8192, 32>}, {transform_indices = @transform_4, window_bounds = array<i64: 2, 2, 128>}, {pipeline_mode = #tpu.pipeline_mode<synchronous>, transform_indices = @transform_5, window_bounds = array<i64: 1, 1>}]} {
    %get3A = arith.constant 0 : index
    %get3A_0 = arith.constant 0 : index
    %get3A_1 = vector.load %arg1[%get3A, %get3A_0] : memref<512x32xf32, #tpu.memory_space<vmem>>, vector<512x32xf32>
    %get3A_2 = arith.constant 0 : index
    %get3A_3 = arith.constant 0 : index
    %get3A_4 = vector.load %arg2[%get3A_2, %get3A_3] : memref<512x32xbf16, #tpu.memory_space<vmem>>, vector<512x32xbf16>
    %get3A_5 = arith.constant 0 : index
    %get3A_6 = arith.constant 0 : index
    %get3A_7 = vector.load %arg4[%get3A_5, %get3A_6] : memref<8192x32xbf16, #tpu.memory_space<vmem>>, vector<8192x32xbf16>
    %eq3A = arith.constant 0 : i32
    %eq3A_8 = arith.cmpi eq, %arg0, %eq3A : i32
    %convert_element_type3A = arith.extui %eq3A_8 : i1 to i32
    %cond3A = arith.constant 0 : i32
    %cond3A_9 = arith.cmpi ne, %convert_element_type3A, %cond3A : i32
    scf.if %cond3A_9 {
      %get3A_136 = arith.constant 0 : index
      %get3A_137 = arith.constant 0 : index
      %get3A_138 = vector.load %arg3[%get3A_136, %get3A_137] : memref<8192x32xf32, #tpu.memory_space<vmem>>, vector<8192x32xf32>
      %mul3A_139 = arith.mulf %get3A_138, %get3A_138 : vector<8192x32xf32>
      %reduce_sum3A_140 = arith.constant dense<0.000000e+00> : vector<8192xf32>
      %reduce_sum3A_141 = vector.multi_reduction <add>, %mul3A_139, %reduce_sum3A_140 [1] : vector<8192x32xf32> to vector<8192xf32>
      %broadcast_in_dim3A_142 = vector.shape_cast %reduce_sum3A_141 : vector<8192xf32> to vector<1x8192xf32>
      %swap3A_143 = arith.constant 0 : index
      %swap3A_144 = arith.constant 0 : index
      %swap3A_145 = vector.load %arg7[%swap3A_143, %swap3A_144] : memref<1x8192xf32, #tpu.memory_space<vmem>>, vector<1x8192xf32>
      tpu.vector_store %arg7[%swap3A_143, %swap3A_144], %broadcast_in_dim3A_142 {strides = array<i32>} : memref<1x8192xf32, #tpu.memory_space<vmem>>, vector<1x8192xf32>,
    } else {
    }
    %mul3A = arith.mulf %get3A_1, %get3A_1 : vector<512x32xf32>
    %reduce_sum3A = arith.constant dense<0.000000e+00> : vector<512xf32>
    %reduce_sum3A_10 = vector.multi_reduction <add>, %mul3A, %reduce_sum3A [1] : vector<512x32xf32> to vector<512xf32>
    %broadcast_in_dim3A = vector.shape_cast %reduce_sum3A_10 : vector<512xf32> to vector<512x1xf32>
    %get3A_11 = arith.constant 0 : index
    %get3A_12 = arith.constant 0 : index
    %get3A_13 = vector.load %arg7[%get3A_11, %get3A_12] : memref<1x8192xf32, #tpu.memory_space<vmem>>, vector<1x8192xf32>
    %dot_general3A = arith.constant dense<0.000000e+00> : vector<512x8192xf32>
    %dot_general3A_14 = tpu.matmul %get3A_4, %get3A_7, %dot_general3A {dimension_numbers = #tpu.dot_dimension_numbers<[1], [1], [0], [0], [0, 0, 1, 0], [], []>, transpose_lhs_hint = false} : vector<512x32xbf16>, vector<8192x32xbf16>, vector<512x8192xf32> -> vector<512x8192xf32>
    %add3A = vector.broadcast %broadcast_in_dim3A : vector<512x1xf32> to vector<512x8192xf32>
    %add3A_15 = vector.broadcast %get3A_13 : vector<1x8192xf32> to vector<512x8192xf32>
    %add3A_16 = arith.addf %add3A, %add3A_15 : vector<512x8192xf32>
    %add3A_17 = arith.addf %add3A_16, %dot_general3A_14 : vector<512x8192xf32>
    %iota3A = tpu.iota {dimensions = array<i32: 1>} : vector<1x8192xi32>
    %broadcast_in_dim3A_18 = arith.constant 0x7F800000 : f32
    %broadcast_in_dim3A_19 = vector.broadcast %broadcast_in_dim3A_18 : f32 to vector<512x1xf32>
    %broadcast_in_dim3A_20 = arith.constant 0 : i32
    %broadcast_in_dim3A_21 = vector.broadcast %broadcast_in_dim3A_20 : i32 to vector<512x1xi32>
    %broadcast_in_dim3A_22 = arith.constant 0x7F800000 : f32
    %broadcast_in_dim3A_23 = vector.broadcast %broadcast_in_dim3A_22 : f32 to vector<512x1xf32>
    %slice3A = vector.extract_strided_slice %add3A_17 {offsets = [0, 0], sizes = [512, 2048], strides = [1, 1]} : vector<512x8192xf32> to vector<512x2048xf32>
    %slice3A_24 = vector.extract_strided_slice %iota3A {offsets = [0, 0], sizes = [1, 2048], strides = [1, 1]} : vector<1x8192xi32> to vector<1x2048xi32>
    %reduce_min3A = arith.constant dense<0x7F800000> : vector<512xf32>
    %reduce_min3A_25 = vector.multi_reduction <minimumf>, %slice3A, %reduce_min3A [1] : vector<512x2048xf32> to vector<512xf32>
    %broadcast_in_dim3A_26 = vector.shape_cast %reduce_min3A_25 : vector<512xf32> to vector<512x1xf32>
    %eq3A_27 = vector.broadcast %broadcast_in_dim3A_26 : vector<512x1xf32> to vector<512x2048xf32>
    %eq3A_28 = arith.cmpf oeq, %slice3A, %eq3A_27 : vector<512x2048xf32>
    %jit3A = arith.constant 8192 : i32
    %broadcast_in_dim3A_29 = vector.shape_cast %slice3A_24 : vector<1x2048xi32> to vector<1x2048xi32>
    %broadcast_in_dim3A_30 = vector.broadcast %broadcast_in_dim3A_29 : vector<1x2048xi32> to vector<512x2048xi32>
    %broadcast_in_dim3A_31 = vector.broadcast %jit3A : i32 to vector<512x2048xi32>
    %select_n3A = arith.select %eq3A_28, %broadcast_in_dim3A_30, %broadcast_in_dim3A_31 : vector<512x2048xi1>, vector<512x2048xi32>
    %reduce_min3A_32 = arith.constant dense<2147483647> : vector<512xi32>
    %reduce_min3A_33 = vector.multi_reduction <minsi>, %select_n3A, %reduce_min3A_32 [1] : vector<512x2048xi32> to vector<512xi32>
    %broadcast_in_dim3A_34 = vector.shape_cast %reduce_min3A_33 : vector<512xi32> to vector<512x1xi32>
    %lt3A = arith.cmpf olt, %broadcast_in_dim3A_26, %broadcast_in_dim3A_19 : vector<512x1xf32>
    %eq3A_35 = arith.cmpf oeq, %broadcast_in_dim3A_26, %broadcast_in_dim3A_19 : vector<512x1xf32>
    %lt3A_36 = arith.cmpi slt, %broadcast_in_dim3A_34, %broadcast_in_dim3A_21 : vector<512x1xi32>
    %and3A = arith.andi %eq3A_35, %lt3A_36 : vector<512x1xi1>
    %or3A = arith.ori %lt3A, %and3A : vector<512x1xi1>
    %select_n3A_37 = arith.select %lt3A, %broadcast_in_dim3A_26, %broadcast_in_dim3A_19 : vector<512x1xi1>, vector<512x1xf32>
    %convert_element_type3A_38 = arith.truncf %select_n3A_37 : vector<512x1xf32> to vector<512x1xbf16>
    %convert_element_type3A_39 = arith.extf %convert_element_type3A_38 : vector<512x1xbf16> to vector<512x1xf32>
    %select_n3A_40 = arith.select %or3A, %broadcast_in_dim3A_34, %broadcast_in_dim3A_21 : vector<512x1xi1>, vector<512x1xi32>
    %select_n3A_41 = arith.select %or3A, %broadcast_in_dim3A_26, %broadcast_in_dim3A_23 : vector<512x1xi1>, vector<512x1xf32>
    %slice3A_42 = vector.extract_strided_slice %add3A_17 {offsets = [0, 2048], sizes = [512, 2048], strides = [1, 1]} : vector<512x8192xf32> to vector<512x2048xf32>
    %slice3A_43 = vector.extract_strided_slice %iota3A {offsets = [0, 2048], sizes = [1, 2048], strides = [1, 1]} : vector<1x8192xi32> to vector<1x2048xi32>
    %reduce_min3A_44 = arith.constant dense<0x7F800000> : vector<512xf32>
    %reduce_min3A_45 = vector.multi_reduction <minimumf>, %slice3A_42, %reduce_min3A_44 [1] : vector<512x2048xf32> to vector<512xf32>
    %broadcast_in_dim3A_46 = vector.shape_cast %reduce_min3A_45 : vector<512xf32> to vector<512x1xf32>
    %eq3A_47 = vector.broadcast %broadcast_in_dim3A_46 : vector<512x1xf32> to vector<512x2048xf32>
    %eq3A_48 = arith.cmpf oeq, %slice3A_42, %eq3A_47 : vector<512x2048xf32>
    %jit3A_49 = arith.constant 8192 : i32
    %broadcast_in_dim3A_50 = vector.shape_cast %slice3A_43 : vector<1x2048xi32> to vector<1x2048xi32>
    %broadcast_in_dim3A_51 = vector.broadcast %broadcast_in_dim3A_50 : vector<1x2048xi32> to vector<512x2048xi32>
    %broadcast_in_dim3A_52 = vector.broadcast %jit3A_49 : i32 to vector<512x2048xi32>
    %select_n3A_53 = arith.select %eq3A_48, %broadcast_in_dim3A_51, %broadcast_in_dim3A_52 : vector<512x2048xi1>, vector<512x2048xi32>
    %reduce_min3A_54 = arith.constant dense<2147483647> : vector<512xi32>
    %reduce_min3A_55 = vector.multi_reduction <minsi>, %select_n3A_53, %reduce_min3A_54 [1] : vector<512x2048xi32> to vector<512xi32>
    %broadcast_in_dim3A_56 = vector.shape_cast %reduce_min3A_55 : vector<512xi32> to vector<512x1xi32>
    %lt3A_57 = arith.cmpf olt, %broadcast_in_dim3A_46, %convert_element_type3A_39 : vector<512x1xf32>
    %eq3A_58 = arith.cmpf oeq, %broadcast_in_dim3A_46, %convert_element_type3A_39 : vector<512x1xf32>
    %lt3A_59 = arith.cmpi slt, %broadcast_in_dim3A_56, %select_n3A_40 : vector<512x1xi32>
    %and3A_60 = arith.andi %eq3A_58, %lt3A_59 : vector<512x1xi1>
    %or3A_61 = arith.ori %lt3A_57, %and3A_60 : vector<512x1xi1>
    %select_n3A_62 = arith.select %lt3A_57, %broadcast_in_dim3A_46, %convert_element_type3A_39 : vector<512x1xi1>, vector<512x1xf32>
    %convert_element_type3A_63 = arith.truncf %select_n3A_62 : vector<512x1xf32> to vector<512x1xbf16>
    %convert_element_type3A_64 = arith.extf %convert_element_type3A_63 : vector<512x1xbf16> to vector<512x1xf32>
    %select_n3A_65 = arith.select %or3A_61, %broadcast_in_dim3A_56, %select_n3A_40 : vector<512x1xi1>, vector<512x1xi32>
    %select_n3A_66 = arith.select %or3A_61, %broadcast_in_dim3A_46, %select_n3A_41 : vector<512x1xi1>, vector<512x1xf32>
    %slice3A_67 = vector.extract_strided_slice %add3A_17 {offsets = [0, 4096], sizes = [512, 2048], strides = [1, 1]} : vector<512x8192xf32> to vector<512x2048xf32>
    %slice3A_68 = vector.extract_strided_slice %iota3A {offsets = [0, 4096], sizes = [1, 2048], strides = [1, 1]} : vector<1x8192xi32> to vector<1x2048xi32>
    %reduce_min3A_69 = arith.constant dense<0x7F800000> : vector<512xf32>
    %reduce_min3A_70 = vector.multi_reduction <minimumf>, %slice3A_67, %reduce_min3A_69 [1] : vector<512x2048xf32> to vector<512xf32>
    %broadcast_in_dim3A_71 = vector.shape_cast %reduce_min3A_70 : vector<512xf32> to vector<512x1xf32>
    %eq3A_72 = vector.broadcast %broadcast_in_dim3A_71 : vector<512x1xf32> to vector<512x2048xf32>
    %eq3A_73 = arith.cmpf oeq, %slice3A_67, %eq3A_72 : vector<512x2048xf32>
    %jit3A_74 = arith.constant 8192 : i32
    %broadcast_in_dim3A_75 = vector.shape_cast %slice3A_68 : vector<1x2048xi32> to vector<1x2048xi32>
    %broadcast_in_dim3A_76 = vector.broadcast %broadcast_in_dim3A_75 : vector<1x2048xi32> to vector<512x2048xi32>
    %broadcast_in_dim3A_77 = vector.broadcast %jit3A_74 : i32 to vector<512x2048xi32>
    %select_n3A_78 = arith.select %eq3A_73, %broadcast_in_dim3A_76, %broadcast_in_dim3A_77 : vector<512x2048xi1>, vector<512x2048xi32>
    %reduce_min3A_79 = arith.constant dense<2147483647> : vector<512xi32>
    %reduce_min3A_80 = vector.multi_reduction <minsi>, %select_n3A_78, %reduce_min3A_79 [1] : vector<512x2048xi32> to vector<512xi32>
    %broadcast_in_dim3A_81 = vector.shape_cast %reduce_min3A_80 : vector<512xi32> to vector<512x1xi32>
    %lt3A_82 = arith.cmpf olt, %broadcast_in_dim3A_71, %convert_element_type3A_64 : vector<512x1xf32>
    %eq3A_83 = arith.cmpf oeq, %broadcast_in_dim3A_71, %convert_element_type3A_64 : vector<512x1xf32>
    %lt3A_84 = arith.cmpi slt, %broadcast_in_dim3A_81, %select_n3A_65 : vector<512x1xi32>
    %and3A_85 = arith.andi %eq3A_83, %lt3A_84 : vector<512x1xi1>
    %or3A_86 = arith.ori %lt3A_82, %and3A_85 : vector<512x1xi1>
    %select_n3A_87 = arith.select %lt3A_82, %broadcast_in_dim3A_71, %convert_element_type3A_64 : vector<512x1xi1>, vector<512x1xf32>
    %convert_element_type3A_88 = arith.truncf %select_n3A_87 : vector<512x1xf32> to vector<512x1xbf16>
    %convert_element_type3A_89 = arith.extf %convert_element_type3A_88 : vector<512x1xbf16> to vector<512x1xf32>
    %select_n3A_90 = arith.select %or3A_86, %broadcast_in_dim3A_81, %select_n3A_65 : vector<512x1xi1>, vector<512x1xi32>
    %select_n3A_91 = arith.select %or3A_86, %broadcast_in_dim3A_71, %select_n3A_66 : vector<512x1xi1>, vector<512x1xf32>
    %slice3A_92 = vector.extract_strided_slice %add3A_17 {offsets = [0, 6144], sizes = [512, 2048], strides = [1, 1]} : vector<512x8192xf32> to vector<512x2048xf32>
    %slice3A_93 = vector.extract_strided_slice %iota3A {offsets = [0, 6144], sizes = [1, 2048], strides = [1, 1]} : vector<1x8192xi32> to vector<1x2048xi32>
    %reduce_min3A_94 = arith.constant dense<0x7F800000> : vector<512xf32>
    %reduce_min3A_95 = vector.multi_reduction <minimumf>, %slice3A_92, %reduce_min3A_94 [1] : vector<512x2048xf32> to vector<512xf32>
    %broadcast_in_dim3A_96 = vector.shape_cast %reduce_min3A_95 : vector<512xf32> to vector<512x1xf32>
    %eq3A_97 = vector.broadcast %broadcast_in_dim3A_96 : vector<512x1xf32> to vector<512x2048xf32>
    %eq3A_98 = arith.cmpf oeq, %slice3A_92, %eq3A_97 : vector<512x2048xf32>
    %jit3A_99 = arith.constant 8192 : i32
    %broadcast_in_dim3A_100 = vector.shape_cast %slice3A_93 : vector<1x2048xi32> to vector<1x2048xi32>
    %broadcast_in_dim3A_101 = vector.broadcast %broadcast_in_dim3A_100 : vector<1x2048xi32> to vector<512x2048xi32>
    %broadcast_in_dim3A_102 = vector.broadcast %jit3A_99 : i32 to vector<512x2048xi32>
    %select_n3A_103 = arith.select %eq3A_98, %broadcast_in_dim3A_101, %broadcast_in_dim3A_102 : vector<512x2048xi1>, vector<512x2048xi32>
    %reduce_min3A_104 = arith.constant dense<2147483647> : vector<512xi32>
    %reduce_min3A_105 = vector.multi_reduction <minsi>, %select_n3A_103, %reduce_min3A_104 [1] : vector<512x2048xi32> to vector<512xi32>
    %broadcast_in_dim3A_106 = vector.shape_cast %reduce_min3A_105 : vector<512xi32> to vector<512x1xi32>
    %lt3A_107 = arith.cmpf olt, %broadcast_in_dim3A_96, %convert_element_type3A_89 : vector<512x1xf32>
    %eq3A_108 = arith.cmpf oeq, %broadcast_in_dim3A_96, %convert_element_type3A_89 : vector<512x1xf32>
    %lt3A_109 = arith.cmpi slt, %broadcast_in_dim3A_106, %select_n3A_90 : vector<512x1xi32>
    %and3A_110 = arith.andi %eq3A_108, %lt3A_109 : vector<512x1xi1>
    %or3A_111 = arith.ori %lt3A_107, %and3A_110 : vector<512x1xi1>
    %select_n3A_112 = arith.select %or3A_111, %broadcast_in_dim3A_106, %select_n3A_90 : vector<512x1xi1>, vector<512x1xi32>
    %select_n3A_113 = arith.select %or3A_111, %broadcast_in_dim3A_96, %select_n3A_91 : vector<512x1xi1>, vector<512x1xf32>
    %squeeze3A = vector.shape_cast %select_n3A_112 : vector<512x1xi32> to vector<512xi32>
    %reshape3A = vector.shape_cast %squeeze3A : vector<512xi32> to vector<2x2x128xi32>
    %swap3A = arith.constant 0 : index
    %swap3A_114 = arith.constant 0 : index
    %swap3A_115 = arith.constant 0 : index
    %swap3A_116 = vector.load %arg5[%swap3A, %swap3A_114, %swap3A_115] : memref<2x2x128xi32, #tpu.memory_space<vmem>>, vector<2x2x128xi32>
    tpu.vector_store %arg5[%swap3A, %swap3A_114, %swap3A_115], %reshape3A {strides = array<i32>} : memref<2x2x128xi32, #tpu.memory_space<vmem>>, vector<2x2x128xi32>,
    %reduce_sum3A_117 = vector.shape_cast %select_n3A_113 : vector<512x1xf32> to vector<1x512x1xf32>
    %reduce_sum3A_118 = arith.constant dense<0.000000e+00> : vector<1xf32>
    %reduce_sum3A_119 = vector.multi_reduction <add>, %reduce_sum3A_117, %reduce_sum3A_118 [1, 2] : vector<1x512x1xf32> to vector<1xf32>
    %reduce_sum3A_120 = vector.shape_cast %reduce_sum3A_119 : vector<1xf32> to vector<1x1x1xf32>
    %reduce_sum3A_121 = vector.extract %reduce_sum3A_120[0, 0, 0] : f32 from vector<1x1x1xf32>
    %eq3A_122 = arith.constant 0 : i32
    %eq3A_123 = arith.cmpi eq, %arg0, %eq3A_122 : i32
    %convert_element_type3A_124 = arith.extui %eq3A_123 : i1 to i32
    %cond3A_125 = arith.constant 0 : i32
    %cond3A_126 = arith.cmpi ne, %convert_element_type3A_124, %cond3A_125 : i32
    scf.if %cond3A_126 {
      %swap3A_136 = arith.constant 0 : index
      %swap3A_137 = memref.load %arg8[%swap3A_136] : memref<1xf32, #tpu.memory_space<smem>>
      memref.store %reduce_sum3A_121, %arg8[%swap3A_136] : memref<1xf32, #tpu.memory_space<smem>>
    } else {
    }
    %gt3A = arith.constant 0 : i32
    %gt3A_127 = arith.cmpi sgt, %arg0, %gt3A : i32
    %convert_element_type3A_128 = arith.extui %gt3A_127 : i1 to i32
    %cond3A_129 = arith.constant 0 : i32
    %cond3A_130 = arith.cmpi ne, %convert_element_type3A_128, %cond3A_129 : i32
    scf.if %cond3A_130 {
      %get3A_136 = arith.constant 0 : index
      %get3A_137 = memref.load %arg8[%get3A_136] : memref<1xf32, #tpu.memory_space<smem>>
      %add3A_138 = arith.addf %get3A_137, %reduce_sum3A_121 : f32
      %swap3A_139 = arith.constant 0 : index
      %swap3A_140 = memref.load %arg8[%swap3A_139] : memref<1xf32, #tpu.memory_space<smem>>
      memref.store %add3A_138, %arg8[%swap3A_139] : memref<1xf32, #tpu.memory_space<smem>>
    } else {
    }
    %eq3A_131 = arith.constant 15 : i32
    %eq3A_132 = arith.cmpi eq, %arg0, %eq3A_131 : i32
    %convert_element_type3A_133 = arith.extui %eq3A_132 : i1 to i32
    %cond3A_134 = arith.constant 0 : i32
    %cond3A_135 = arith.cmpi ne, %convert_element_type3A_133, %cond3A_134 : i32
    scf.if %cond3A_135 {
      %get3A_136 = arith.constant 0 : index
      %get3A_137 = memref.load %arg8[%get3A_136] : memref<1xf32, #tpu.memory_space<smem>>
      %mul3A_138 = arith.constant 9.53674316E-7 : f32
      %mul3A_139 = arith.mulf %get3A_137, %mul3A_138 : f32
      %reshape3A_140 = vector.broadcast %mul3A_139 : f32 to vector<1x1xf32>
      %swap3A_141 = arith.constant 0 : index
      %swap3A_142 = arith.constant 0 : index
      %swap3A_143 = vector.load %arg6[%swap3A_141, %swap3A_142] : memref<1x1xf32, #tpu.memory_space<vmem>>, vector<1x1xf32>
      tpu.vector_store %arg6[%swap3A_141, %swap3A_142], %reshape3A_140 {strides = array<i32>} : memref<1x1xf32, #tpu.memory_space<vmem>>, vector<1x1xf32>,
    } else {
    }
    return
  }
  func.func @transform_0(%arg0: i32) -> (i32, i32) {
    %c0_i32 = arith.constant 0 : i32
    %c0_i32_0 = arith.constant 0 : i32
    return %arg0, %c0_i32 : i32, i32
  }
  func.func @transform_1(%arg0: i32) -> (i32, i32) {
    %c0_i32 = arith.constant 0 : i32
    %c0_i32_0 = arith.constant 0 : i32
    return %arg0, %c0_i32 : i32, i32
  }
  func.func @transform_2(%arg0: i32) -> (i32, i32) {
    %c0_i32 = arith.constant 0 : i32
    %c0_i32_0 = arith.constant 0 : i32
    %c0_i32_1 = arith.constant 0 : i32
    return %c0_i32, %c0_i32_0 : i32, i32
  }
  func.func @transform_3(%arg0: i32) -> (i32, i32) {
    %c0_i32 = arith.constant 0 : i32
    %c0_i32_0 = arith.constant 0 : i32
    %c0_i32_1 = arith.constant 0 : i32
    return %c0_i32, %c0_i32_0 : i32, i32
  }
  func.func @transform_4(%arg0: i32) -> (i32, i32, i32) {
    %c0_i32 = arith.constant 0 : i32
    %c0_i32_0 = arith.constant 0 : i32
    %c0_i32_1 = arith.constant 0 : i32
    return %arg0, %c0_i32, %c0_i32_0 : i32, i32, i32
  }
  func.func @transform_5(%arg0: i32) -> (i32, i32) {
    %c0_i32 = arith.constant 0 : i32
    %c0_i32_0 = arith.constant 0 : i32
    %c0_i32_1 = arith.constant 0 : i32
    return %c0_i32, %c0_i32_0 : i32, i32
  }
}

module attributes {stable_mosaic.version = 14 : i64} {
  func.func @_stats_body(%arg0: memref<2x8192xf32, #tpu.memory_space<vmem>>, %arg1: memref<1x1xf32, #tpu.memory_space<vmem>>, %arg2: memref<1x1xi32, #tpu.memory_space<vmem>>) attributes {dimension_semantics = [], scalar_prefetch = 0 : i64, scratch_operands = 0 : i64, tpu.core_type = #tpu.core_type<tc>} {
    %get3A = arith.constant 0 : index
    %get3A_0 = arith.constant 0 : index
    %get3A_1 = vector.load %arg0[%get3A, %get3A_0] : memref<2x8192xf32, #tpu.memory_space<vmem>>, vector<2x8192xf32>
    %reduce_sum3A = arith.constant dense<0.000000e+00> : vector<8192xf32>
    %reduce_sum3A_2 = vector.multi_reduction <add>, %get3A_1, %reduce_sum3A [0] : vector<2x8192xf32> to vector<8192xf32>
    %broadcast_in_dim3A = vector.shape_cast %reduce_sum3A_2 : vector<8192xf32> to vector<1x8192xf32>
    %mul3A = arith.constant 1.22070313E-4 : f32
    %mul3A_3 = vector.broadcast %mul3A : f32 to vector<1x8192xf32>
    %mul3A_4 = arith.mulf %broadcast_in_dim3A, %mul3A_3 : vector<1x8192xf32>
    %add3A = arith.constant 1.000000e-10 : f32
    %add3A_5 = vector.broadcast %add3A : f32 to vector<1x8192xf32>
    %add3A_6 = arith.addf %mul3A_4, %add3A_5 : vector<1x8192xf32>
    %log3A = math.log %add3A_6 : vector<1x8192xf32>
    %mul3A_7 = arith.mulf %add3A_6, %log3A : vector<1x8192xf32>
    %reduce_sum3A_8 = vector.shape_cast %mul3A_7 : vector<1x8192xf32> to vector<1x1x8192xf32>
    %reduce_sum3A_9 = arith.constant dense<0.000000e+00> : vector<1xf32>
    %reduce_sum3A_10 = vector.multi_reduction <add>, %reduce_sum3A_8, %reduce_sum3A_9 [1, 2] : vector<1x1x8192xf32> to vector<1xf32>
    %reduce_sum3A_11 = vector.shape_cast %reduce_sum3A_10 : vector<1xf32> to vector<1x1x1xf32>
    %reduce_sum3A_12 = vector.extract %reduce_sum3A_11[0, 0, 0] : f32 from vector<1x1x1xf32>
    %neg3A = arith.constant 0.000000e+00 : f32
    %neg3A_13 = arith.subf %neg3A, %reduce_sum3A_12 : f32
    %reshape3A = vector.broadcast %neg3A_13 : f32 to vector<1x1xf32>
    %swap3A = arith.constant 0 : index
    %swap3A_14 = arith.constant 0 : index
    %swap3A_15 = vector.load %arg1[%swap3A, %swap3A_14] : memref<1x1xf32, #tpu.memory_space<vmem>>, vector<1x1xf32>
    tpu.vector_store %arg1[%swap3A, %swap3A_14], %reshape3A {strides = array<i32>} : memref<1x1xf32, #tpu.memory_space<vmem>>, vector<1x1xf32>,
    %gt3A = arith.constant 0.000000e+00 : f32
    %gt3A_16 = vector.broadcast %gt3A : f32 to vector<1x8192xf32>
    %gt3A_17 = arith.cmpf ogt, %broadcast_in_dim3A, %gt3A_16 : vector<1x8192xf32>
    %convert_element_type3A = arith.extui %gt3A_17 : vector<1x8192xi1> to vector<1x8192xi32>
    %reduce_sum3A_18 = vector.shape_cast %convert_element_type3A : vector<1x8192xi32> to vector<1x1x8192xi32>
    %reduce_sum3A_19 = arith.constant dense<0> : vector<1xi32>
    %reduce_sum3A_20 = vector.multi_reduction <add>, %reduce_sum3A_18, %reduce_sum3A_19 [1, 2] : vector<1x1x8192xi32> to vector<1xi32>
    %reduce_sum3A_21 = vector.shape_cast %reduce_sum3A_20 : vector<1xi32> to vector<1x1x1xi32>
    %reduce_sum3A_22 = vector.extract %reduce_sum3A_21[0, 0, 0] : i32 from vector<1x1x1xi32>
    %reshape3A_23 = vector.broadcast %reduce_sum3A_22 : i32 to vector<1x1xi32>
    %swap3A_24 = arith.constant 0 : index
    %swap3A_25 = arith.constant 0 : index
    %swap3A_26 = vector.load %arg2[%swap3A_24, %swap3A_25] : memref<1x1xi32, #tpu.memory_space<vmem>>, vector<1x1xi32>
    tpu.vector_store %arg2[%swap3A_24, %swap3A_25], %reshape3A_23 {strides = array<i32>} : memref<1x1xi32, #tpu.memory_space<vmem>>, vector<1x1xi32>,
    return
  }
}

</mosaic_0001>

<sc_bundles>
// kernel: kernel.5.cloned.1.call-start
scs
__scs_entry_jumppad:
0x0: {  	(pc) =	sbr.rel $0x88, $3  }
0x1: {  	(tag) =	ssettag $0x0;
	lr =	simm.s32 $0x1  }
0x2: {  	[smem:$0x3F9F] =	sst lr;
	_ =	strace $0xD0000000  }
0x3: {  	_ = 	snop  }
0x4: {  	_ = 	snop  }
0x5: {  	_ = 	snop  }
0x6: {  	_ = 	snop  }
0x7: {  	_ = 	snop  }
__scs_overlays_trampoline_lowered:
0x8: {  	[smem:$0x3FAE] =	sst s0  }
0x9: {  	[smem:$0x3FAF] =	sst s1  }
0xa: {  	[smem:$0x3FB0] =	sst s2  }
0xb: {  	[smem:$0x3FB1] =	sst s3  }
0xc: {  	[smem:$0x3FB2] =	sst s4  }
0xd: {  	[smem:$0x3FB3] =	sst s5  }
0xe: {  	[smem:$0x3FB4] =	sst s6  }
0xf: {  	[smem:$0x3FB5] =	sst s7  }
0x10: {  	[smem:$0x3FB6] =	sst s8  }
0x11: {  	[smem:$0x3FB7] =	sst s9;
	s0 =	simm.s32 @!p0 $0x0  }
0x12: {  	s1 =	sld [smem:$0x3F9D];
	s0 =	simm.s32 @p0 $0x1  }
0x13: {  	[smem:$0x3FB8] =	sst s0;
	s0 =	simm.s32 @!p1 $0x0  }
0x14: {  	s2 =	sld [smem:$0x3F9C];
	s0 =	simm.s32 @p1 $0x1  }
0x15: {  	[smem:$0x3FB9] =	sst s0;
	s0 =	simm.s32 @!p2 $0x0  }
0x16: {  	s3 =	sld [smem:$0x3FDB];
	s0 =	simm.s32 @p2 $0x1  }
0x17: {  	s4 =	simm.s32 $0x1BF5;
	[smem:$0x3FBB] =	sst s0  }
0x18: {  	s0 =	sld [smem:$0x3F9E];
	_ =	swait.ge [sflag:s4], $0x0  }
0x19: {  	s7 =	sld [smem:$0x3F9F]  }
0x1a: {  	s8 =	sadd.s32 $0xFFFFE003, lr  }
0x1b: {  	s9 =	sadd.s32 $0xFFFFFEF7, lr;
	s5 =	simm.s32 $0xFFFFFFFF;
	p2 =	slt.u32 s8, $0xFFFFF086  }
0x1c: {  	p1 =	slt.u32 s9, $0xF7A;
	s5 =	simm.s32 @!p2 $0x0  }
0x1d: {  	s5 =	simm.s32 @p1 $0x1;
	p0 =	seq.s32 s7, s2  }
0x1e: {  	s7 =	smul.u32 @!p0 $0xF7A, s2;
	p2 =	seq.s32 @!p0 s5, $0x0  }
0x1f: {  	s9 =	smul.u32 $0xF7A, s1;
	s8 =	simm.s32 @!p0 $0x1BF5;
	p2 =	por !p2, p0  }
0x20: {  	[sflag:s8] =	ssyncset.s32 @!p0 $0xFFFFF086;
	s6 =	sadd.s32 @!p0 s3, s7;
	s7 =	simm.s32 @!p0 $0x108  }
0x21: {  	s3 =	sadd.s32 s3, s9;
	s6 =	sadd.s32 @!p0 $0x88, s6;
	s7 =	simm.s32 @p2 $0x1082  }
0x22: {  	[simem:s7], [sflag:s8] =	dma.local @!p0 [hbm:s6], $0xF7A  }
0x23: {  	s9 =	sor.u32 $0xD0000000, s2;
	s6 =	simm.s32 $0x108;
	_ =	swait.ge @!p0 [sflag:s8], $0x0  }
0x24: {  	s3 =	sadd.s32 $0x88, s3;
	s6 =	simm.s32 @!p1 $0x1082;
	[sflag:s4] =	ssyncset.s32 $0xFFFFF086  }
0x25: {  	[simem:s6], [sflag:s4] =	dma.local [hbm:s3], $0xF7A  }
0x26: {  	[smem:$0x3F9F] =	sst s1;
	(tag) =	ssettag s2;
	_ =	strace s9  }
0x27: {  	s1 =	sld [smem:$0x3FAF]  }
0x28: {  	s2 =	sld [smem:$0x3FB0]  }
0x29: {  	s4 =	sld [smem:$0x3FB2]  }
0x2a: {  	p0 =	seq.s32 s5, $0x0;
	s5 =	sld [smem:$0x3FB3]  }
0x2b: {  	s6 =	sld [smem:$0x3FB4]  }
0x2c: {  	s7 =	sld [smem:$0x3FB5]  }
0x2d: {  	s3 =	simm.s32 $0x108;
	s8 =	sld [smem:$0x3FB6]  }
0x2e: {  	s3 =	simm.s32 @!p0 $0x1082;
	s9 =	sld [smem:$0x3FB7]  }
0x2f: {  	lr =	sadd.s32 s0, s3;
	s0 =	sld [smem:$0x3FAE]  }
0x30: {  	s3 =	sld [smem:$0x3FB1]  }
0x31: {  	[smem:$0x3FBA] =	sst s10  }
0x32: {  	s10 =	sld [smem:$0x3FB8];
	_ =	sdelay $0x3  }
0x33: {  	p0 =	seq.s32 s10, $0x1;
	s10 =	sld [smem:$0x3FBA];
	_ =	sdelay $0x3  }
0x34: {  	[smem:$0x3FBA] =	sst s10  }
0x35: {  	s10 =	sld [smem:$0x3FB9];
	_ =	sdelay $0x3  }
0x36: {  	p1 =	seq.s32 s10, $0x1;
	s10 =	sld [smem:$0x3FBA];
	_ =	sdelay $0x3  }
0x37: {  	[smem:$0x3FBA] =	sst s10  }
0x38: {  	s10 =	sld [smem:$0x3FBB]  }
0x39: {  	_ = 	snop;
	(pc) =	sbr.ind lr, $3  }
0x3a: {  	_ = 	snop  }
0x3b: {  	_ = 	snop  }
0x3c: {  	p2 =	seq.s32 s10, $0x1;
	s10 =	sld [smem:$0x3FBA]  }
0x3d: {  	_ =	shalt  }
0x3e: {  	_ =	shalt  }
0x3f: {  	_ =	shalt  }
0x40: {  	_ =	shalt  }
0x41: {  	_ =	shalt  }
0x42: {  	_ =	shalt  }
0x43: {  	_ =	shalt  }
0x44: {  	_ =	shalt  }
0x45: {  	_ =	shalt  }
0x46: {  	_ =	shalt  }
0x47: {  	_ =	shalt  }
0x48: {  	_ =	shalt  }
0x49: {  	_ =	shalt  }
0x4a: {  	_ =	shalt  }
0x4b: {  	_ =	shalt  }
0x4c: {  	_ =	shalt  }
0x4d: {  	_ =	shalt  }
0x4e: {  	_ =	shalt  }
0x4f: {  	_ =	shalt  }
0x50: {  	_ =	shalt  }
0x51: {  	_ =	shalt  }
0x52: {  	_ =	shalt  }
0x53: {  	_ =	shalt  }
0x54: {  	_ =	shalt  }
0x55: {  	_ =	shalt  }
0x56: {  	_ =	shalt  }
0x57: {  	_ =	shalt  }
0x58: {  	_ =	shalt  }
0x59: {  	_ =	shalt  }
0x5a: {  	_ =	shalt  }
0x5b: {  	_ =	shalt  }
0x5c: {  	_ =	shalt  }
0x5d: {  	_ =	shalt  }
0x5e: {  	_ =	shalt  }
0x5f: {  	_ =	shalt  }
0x60: {  	_ =	shalt  }
0x61: {  	_ =	shalt  }
0x62: {  	_ =	shalt  }
0x63: {  	_ =	shalt  }
0x64: {  	_ =	shalt  }
0x65: {  	_ =	shalt  }
0x66: {  	_ =	shalt  }
0x67: {  	_ =	shalt  }
0x68: {  	_ =	shalt  }
0x69: {  	_ =	shalt  }
0x6a: {  	_ =	shalt  }
0x6b: {  	_ =	shalt  }
0x6c: {  	_ =	shalt  }
0x6d: {  	_ =	shalt  }
0x6e: {  	_ =	shalt  }
0x6f: {  	_ =	shalt  }
0x70: {  	_ =	shalt  }
0x71: {  	_ =	shalt  }
0x72: {  	_ =	shalt  }
0x73: {  	_ =	shalt  }
0x74: {  	_ =	shalt  }
0x75: {  	_ =	shalt  }
0x76: {  	_ =	shalt  }
0x77: {  	_ =	shalt  }
0x78: {  	_ =	shalt  }
0x79: {  	_ =	shalt  }
0x7a: {  	_ =	shalt  }
0x7b: {  	_ =	shalt  }
0x7c: {  	_ =	shalt  }
0x7d: {  	_ =	shalt  }
0x7e: {  	_ =	shalt  }
0x7f: {  	_ =	shalt  }
0x80: {  	_ =	shalt  }
0x81: {  	_ =	shalt  }
0x82: {  	_ =	shalt  }
0x83: {  	_ =	shalt  }
0x84: {  	_ =	shalt  }
0x85: {  	_ =	shalt  }
0x86: {  	_ =	shalt  }
0x87: {  	_ =	shalt  }
.Lfunc_end0:
.L_simem_size_0:
called_computation_lowered:
.L_overlay_start_0:
0x88: {  	s2 =	sld [smem:$0x3FD9]  }
0x89: {  	s3 =	sld [smem:$0x3FFE];
	_ =	sdelay $0x1  }
0x8a: {  	s1 =	srdreg.scid  }
0x8b: {  	s0 =	sand.u32 $0x1, s1  }
0x8c: {  	s14 =	sshll.u32 s0, $0xA;
	s2 =	sadd.s32 s3, s2  }
0x8d: {  	s2 =	sadd.s32 s2, s14  }
0x8e: {  	[smem:$0x3FC6] =	sst s2  }
0x8f: {  	_ = 	snop  }
0x90: {  	s2 =	sld [smem:$0x3FD0];
	_ =	sdelay $0x2  }
0x91: {  	s15 =	simm.s32 $0xA;
	s4 =	simm.s32 $0x10  }
0x92: {  	[smem:s4], [sflag:s15] =	dma.local [hbm:s2], $0x1  }
0x93: {  	_ =	swait.eq [sflag:s15], $0x1  }
0x94: {  	[sflag:s15] =	ssyncset.done $0x0  }
0x95: {  	[sflag:s15] =	ssyncadd.s32 $0xFFFFFFFF  }
0x96: {  	s16 =	sld [smem:$0x11];
	(tm) =	ssettm $0x1  }
0x97: {  	s17 =	sld [smem:$0x3FFB];
	_ =	sdelay $0x3  }
0x98: {  	_ =	strace s17  }
0x99: {  	s3 =	sld [smem:$0x3FFC];
	_ =	sdelay $0x3  }
0x9a: {  	_ =	strace s3  }
0x9b: {  	s3 =	sld [smem:$0x3FFD];
	_ =	sdelay $0x3  }
0x9c: {  	_ =	strace s3  }
0x9d: {  	_ =	strace $0x8FFFFFFF  }
0x9e: {  	s18 =	sld [smem:$0x3FDB];
	_ =	sdelay $0x1  }
0x9f: {  	s19 =	simm.s32 $_scs_section_size  }
0xa0: {  	s5 =	simm.s32 $_size__tile_overlayer_lowered;
	s6 =	simm.s32 $_tile_overlayer_lowered  }
0xa1: {  	s22 =	simm.s32 $0x1BFF;
	s21 =	sshll.u32 s6, $0x1;
	s3 =	sadd.s32 s19, s18  }
0xa2: {  	s7 =	simm.s32 $0x0;
	s20 =	sshll.u32 s5, $0x1;
	s5 =	sadd.s32 s21, s3  }
0xa3: {  	[timem:s7], [sflag:s22] =	dma.local [hbm:s5], s20  }
0xa4: {  	_ =	swait.ge [sflag:s22], s20  }
0xa5: {  	s4 =	ssub.s32 $0x0, s20;
	[sflag:s22] =	ssyncset.done $0x0  }
0xa6: {  	[sflag:s22] =	ssyncadd.s32 s4;
	_ =	sdelay $0x1  }
0xa7: {  	s23 =	simm.s32 $0x1B8B  }
0xa8: {  	_ =	swait.ge [sflag:s23], $0x1  }
0xa9: {  	[sflag:s23] =	ssyncset.done $0x0  }
0xaa: {  	s25 =	simm.s32 $0x1B8E;
	s24 =	sld [smem:$0x3FFE];
	[sflag:s23] =	ssyncadd.s32 $0xFFFFFFFF  }
0xab: {  	s26 =	simm.s32 $execute0_lowered;
	[smem:$0x3FD2] =	sst s25  }
0xac: {  	s5 =	sshll.u32 s26, $0x1;
	_ =	strace $0x80000046;
	[dreg:$0x1] =	wrdreg $0xFFFFFFFF  }
0xad: {  	s28 =	simm.s32 $_size_execute0_lowered;
	s3 =	sadd.s32 s3, s5;
	[dreg:$0x0] =	wrdreg $0x0  }
0xae: {  	s5 =	sshll.u32 s28, $0x1;
	[dreg:$0x2] =	wrdreg s3  }
0xaf: {  	[dreg:$0x3] =	wrdreg s5  }
0xb0: {  	[dreg:$0x4] =	wrdreg $0xC0  }
0xb1: {  	_ =	task [dreg:s7], $0x5FFFF  }
0xb2: {  	[dreg:$0x1] =	wrdreg $0xFFFFFFFF  }
0xb3: {  	[dreg:$0x0] =	wrdreg $0x60  }
0xb4: {  	[dreg:$0x2] =	wrdreg s24  }
0xb5: {  	[dreg:$0x3] =	wrdreg s16  }
0xb6: {  	[dreg:$0x4] =	wrdreg $0x83800  }
0xb7: {  	[dreg:$0x5] =	wrdreg $0x9  }
0xb8: {  	_ =	task.clear_ibuf [dreg:s7], $0x6FFFF;
	_ =	strace $0x90000046  }
0xb9: {  	s29 =	simm.s32 $0x9;
	_ =	strace $0x80000048  }
0xba: {  	_ =	swait.ge [sflag:s29], $0x1  }
0xbb: {  	[sflag:s29] =	ssyncadd.s32 $0xFFFFFFFF  }
0xbc: {  	_ =	strace $0x90000048  }
0xbd: {  	_ =	sfence  }
0xbe: {  	s30 =	sld [smem:$0x0];
	_ =	sdelay $0x2  }
0xbf: {  	s31 =	sshll.u32 s1, $0xD;
	s1 =	sshrl.u32 s1, $0x2  }
0xc0: {  	s3 =	sand.u32 $0x4000, s31;
	s1 =	sadd.s32 s1, s30  }
0xc1: {  	s0 =	sor.u32 s3, s0;
	s1 =	sshll.u32 s1, $0x11  }
0xc2: {  	s0 =	sor.u32 s1, s0  }
0xc3: {  	s0 =	sadd.s32 $0x8F2B, s0  }
0xc4: {  	[sflag:s0] =	ssyncadd.remote.s32 $0x1  }
0xc5: {  	_ =	sfence.sel $0xFFFF  }
0xc6: {  	[dreg:$0x0] =	wrdreg $0xFFFFFFFF;
	(pc) =	sbr.abs _section_cstart, $3  }
0xc7: {  	[dreg:$0x1] =	wrdreg $0xFFFFFFFF  }
0xc8: {  	_ =	task.clear_ibuf [dreg:s7], $0x2FFFF;
	_ =	strace $0x9FFFFFFF  }
0xc9: {  	(tm) =	ssettm $0x7FFFFFFF  }
tec
execute0_lowered:
.L_overlay_start_1:
0x0: {  	(tag) =	ssettag $0x1  }
0x1: {  	s8 =	rddreg [dreg:$0x0];
	s0 =	srdreg.scid  }
0x2: {  	s2 =	rddreg [dreg:$0x1];
	s11 =	stileid.u32;
	s10 =	sand.u32 $0x1, s0  }
0x3: {  	s4 =	rddreg [dreg:$0x2];
	s12 =	sshll.u32 s11, $0x9;
	s3 =	sshll.u32 s10, $0x8  }
0x4: {  	s1 =	simm.s32 $0x0;
	s0 =	rddreg [dreg:$0x3];
	s13 =	sor.u32 s3, s12  }
0x5: {  	[smem:$0x7FF] =	sst s1;
	s3 =	sshrl.u32 s13, $0x3  }
0x6: {  	_ =	strace $0x80000047;
	s6 =	sadd.s32 s2, s3;
	s2 =	simm.s32 $0x2  }
0x7: {  	[tilespmem:s1], [sflag:$0x2] =	stream.linear.gather [hbm4b:s6+s1], $0x100, $0x38;
	[tilespmem:$0x8580] =	vst v63  }
0x8: {  	_ =	swait.ge [sflag:s2], $0x100  }
0x9: {  	s5 =	simm.s32 $0x80;
	[sflag:s2] =	ssyncset.done $0x0  }
0xa: {  	s7 =	sadd.s32 $0x1000, s8;
	s3 =	simm.s32 $0x100;
	[sflag:s2] =	ssyncadd.s32 $0xFFFFFF00  }
0xb: {  	[tilespmem:s3], [sflag:$0x1] =	stream.indirect.gather [hbm4b:s7+s5], $0x80, s1, s5, $0xb8;
	[tilespmem:$0x8580] =	vst v63  }
0xc: {  	s9 =	simm.s32 $0x4100  }
0xd: {  	v1 =	vimm.f32 $1.000000000e+00;
	[tilespmem:s9], [sflag:$0x1] =	stream.indirect.gather [hbm4b:s7+s5], $0x80, s5, s5, $0xb8;
	[tilespmem:$0x8580] =	vst v63  }
0xe: {  	[tilespmem:$0x8370] =	vst v1  }
0xf: {  	[tilespmem:$0x8360] =	vst v1  }
0x10: {  	[tilespmem:$0x8350] =	vst v1  }
0x11: {  	[tilespmem:$0x8340] =	vst v1  }
0x12: {  	[tilespmem:$0x8330] =	vst v1  }
0x13: {  	[tilespmem:$0x8320] =	vst v1  }
0x14: {  	[tilespmem:$0x8310] =	vst v1  }
0x15: {  	v0 =	vimm.f32 $0.0e+00;
	[tilespmem:$0x8300] =	vst v1  }
0x16: {  	[tilespmem:$0x82F0] =	vst v0  }
0x17: {  	[tilespmem:$0x82E0] =	vst v0  }
0x18: {  	[tilespmem:$0x82D0] =	vst v0  }
0x19: {  	[tilespmem:$0x82C0] =	vst v0  }
0x1a: {  	[tilespmem:$0x82B0] =	vst v0  }
0x1b: {  	[tilespmem:$0x82A0] =	vst v0  }
0x1c: {  	[tilespmem:$0x8290] =	vst v0  }
0x1d: {  	[tilespmem:$0x8280] =	vst v0  }
0x1e: {  	[tilespmem:$0x8270] =	vst v0  }
0x1f: {  	s14 =	ssub.s32 $0x2, s10;
	[tilespmem:$0x8260] =	vst v0  }
0x20: {  	s15 =	sshrl.u32 s14, $0x1;
	[tilespmem:$0x8250] =	vst v0  }
0x21: {  	s10 =	sshll.u32 s10, $0x4;
	s13 =	sshll.u32 s13, $0x4;
	s14 =	ssub.s32 s14, s15;
	[tilespmem:$0x8240] =	vst v0  }
0x22: {  	s16 =	sadd.s32 s13, s8;
	s8 =	sadd.s32 s10, s8;
	s31 =	smax.u32 s14, $0x1;
	[tilespmem:$0x8230] =	vst v0  }
0x23: {  	s10 =	sadd.s32 $0x41000, s8;
	s8 =	sadd.s32 $0x21000, s16;
	s16 =	sadd.s32 $0xFFFFFFFF, s31;
	[tilespmem:$0x8220] =	vst v0  }
0x24: {  	p1 =	sne.s32 s16, $0x0;
	[tilespmem:$0x8210] =	vst v0  }
.Ltmp0:
0x25: {  	[tilespmem:$0x8200] =	vst v0;
	(pc) =	sbr.rel @!p1 .LBB2_2-.Ltmp0, $4  }
0x26: {  	[tilespmem:$0x81F0] =	vst v0  }
0x27: {  	[tilespmem:$0x81E0] =	vst v0  }
0x28: {  	p0 =	sne.s32 s11, $0x0;
	s11 =	simm.s32 $0x1;
	s15 =	simm.s32 $0x8100;
	[tilespmem:$0x81D0] =	vst v0  }
0x29: {  	s13 =	sadd.s32 s12, s4;
	s14 =	simm.s32 $0x8300;
	s12 =	sshrl.u32 @!p0 s4, $0x3;
	[tilespmem:$0x81C0] =	vst v0  }
.LBB2_1:
0x2a: {  	s16 =	sadd.s32 $0xFFFFFFFF, s16;
	[tilespmem:$0x81B0] =	vst v0  }
0x2b: {  	p1 =	sne.s32 s16, $0x0;
	[tilespmem:$0x81A0] =	vst v0  }
0x2c: {  	[tilespmem:$0x8190] =	vst v0  }
0x2d: {  	[tilespmem:$0x8180] =	vst v0  }
0x2e: {  	[tilespmem:$0x8170] =	vst v0  }
0x2f: {  	[tilespmem:$0x8160] =	vst v0  }
0x30: {  	[tilespmem:$0x8150] =	vst v0  }
0x31: {  	[tilespmem:$0x8140] =	vst v0  }
0x32: {  	[tilespmem:$0x8130] =	vst v0  }
0x33: {  	[tilespmem:$0x8120] =	vst v0  }
0x34: {  	[tilespmem:$0x8100] =	vst v0  }
0x35: {  	[tilespmem:$0x8110] =	vst v0  }
0x36: {  	[spmem:s13] =	stream.linear.scatter [tilespmem:s15], [sflag:$0x2], $0x200, $0x38;
	[tilespmem:$0x8580] =	vst v63  }
0x37: {  	_ =	swait.ge [sflag:s2], $0x200  }
0x38: {  	[sflag:s2] =	ssyncset.done $0x0  }
0x39: {  	[sflag:s2] =	ssyncadd.s32 $0xFFFFFE00  }
0x3a: {  	[bflag:$0x0] =	sbarrier.arrive $0xFFFF  }
0x3b: {  	[spmem:s4] =	stream.indirect.scatter.add.f32 [tilespmem:s14], [sflag:$0x2], $0x1, s1, s5, $0xb8;
	[tilespmem:$0x8580] =	vst v63  }
0x3c: {  	_ =	swait.ge [sflag:s2], $0x80  }
0x3d: {  	[sflag:s2] =	ssyncset.done $0x0  }
0x3e: {  	[sflag:s2] =	ssyncadd.s32 $0xFFFFFF80  }
0x3f: {  	[spmem:s4] =	stream.indirect.scatter.add.f32 [tilespmem:s14], [sflag:$0x2], $0x1, s5, s5, $0xb8;
	[tilespmem:$0x8580] =	vst v63  }
0x40: {  	_ =	swait.ge [sflag:s2], $0x80  }
0x41: {  	s17 =	simm.s32 @!p0 $0x10;
	s18 =	simm.s32 @!p0 $0x1C02;
	[sflag:s2] =	ssyncset.done $0x0  }
0x42: {  	s19 =	simm.s32 @!p0 $0x1;
	s20 =	simm.s32 @!p0 $0x20;
	[sflag:s2] =	ssyncadd.s32 $0xFFFFFF80  }
0x43: {  	s21 =	simm.s32 @!p0 $0x2;
	[bflag:$0x0] =	sbarrier.arrive $0xFFFF  }
0x44: {  	[hbm:s10@s20], [sflag:s18] =	dma.strided @!p0 [spmem:s12@s17], $0x400, s19, $0x10   }
0x45: {  	_ =	swait.ge @!p0 [sflag:s21], $0x400  }
0x46: {  	[sflag:s21] =	ssyncset.done @!p0 $0x0  }
0x47: {  	[sflag:s21] =	ssyncadd.s32 @!p0 $0xFFFFFC00  }
0x48: {  	_ =	swait.ge [sflag:s11], $0x4000  }
0x49: {  	[sflag:s11] =	ssyncset.done $0x0  }
0x4a: {  	[sflag:s11] =	ssyncadd.s32 $0xFFFFC000  }
0x4b: {  	_ =	swait.ge [sflag:s11], $0x4000  }
0x4c: {  	[sflag:s11] =	ssyncset.done $0x0  }
0x4d: {  	[sflag:s11] =	ssyncadd.s32 $0xFFFFC000  }
0x4e: {  	[hbm4b:s8+s1] =	stream.linear.scatter [tilespmem:s3], [sflag:$0x2], $0x8000, $0x38;
	[tilespmem:$0x8580] =	vst v63  }
0x4f: {  	_ =	swait.ge [sflag:s2], $0x8000  }
0x50: {  	[sflag:s2] =	ssyncset.done $0x0  }
0x51: {  	[sflag:s2] =	ssyncadd.s32 $0xFFFF8000  }
0x52: {  	[tilespmem:s1], [sflag:$0x2] =	stream.linear.gather [hbm4b:s6+s1], $0x100, $0x38;
	[tilespmem:$0x8580] =	vst v63  }
0x53: {  	_ =	swait.ge [sflag:s2], $0x100  }
0x54: {  	[sflag:s2] =	ssyncset.done $0x0  }
0x55: {  	[sflag:s2] =	ssyncadd.s32 $0xFFFFFF00  }
0x56: {  	[tilespmem:s3], [sflag:$0x1] =	stream.indirect.gather [hbm4b:s7+s5], $0x80, s1, s5, $0xb8;
	[tilespmem:$0x8580] =	vst v63  }
0x57: {  	_ = 	snop  }
0x58: {  	[tilespmem:s9], [sflag:$0x1] =	stream.indirect.gather [hbm4b:s7+s5], $0x80, s5, s5, $0xb8;
	[tilespmem:$0x8580] =	vst v63  }
0x59: {  	[tilespmem:$0x8370] =	vst v1  }
0x5a: {  	[tilespmem:$0x8360] =	vst v1  }
0x5b: {  	[tilespmem:$0x8350] =	vst v1  }
0x5c: {  	[tilespmem:$0x8340] =	vst v1  }
0x5d: {  	[tilespmem:$0x8330] =	vst v1  }
0x5e: {  	[tilespmem:$0x8320] =	vst v1  }
0x5f: {  	[tilespmem:$0x8310] =	vst v1  }
0x60: {  	[tilespmem:$0x8300] =	vst v1  }
0x61: {  	[tilespmem:$0x82F0] =	vst v0  }
0x62: {  	[tilespmem:$0x82E0] =	vst v0  }
0x63: {  	[tilespmem:$0x82D0] =	vst v0  }
0x64: {  	[tilespmem:$0x82C0] =	vst v0  }
0x65: {  	[tilespmem:$0x82B0] =	vst v0  }
0x66: {  	[tilespmem:$0x82A0] =	vst v0  }
0x67: {  	[tilespmem:$0x8290] =	vst v0  }
0x68: {  	[tilespmem:$0x8280] =	vst v0  }
0x69: {  	[tilespmem:$0x8270] =	vst v0  }
0x6a: {  	[tilespmem:$0x8260] =	vst v0  }
0x6b: {  	[tilespmem:$0x8250] =	vst v0  }
0x6c: {  	[tilespmem:$0x8240] =	vst v0  }
0x6d: {  	[tilespmem:$0x8230] =	vst v0  }
0x6e: {  	[tilespmem:$0x8220] =	vst v0  }
0x6f: {  	[tilespmem:$0x8210] =	vst v0  }
.Ltmp1:
0x70: {  	[tilespmem:$0x8200] =	vst v0;
	(pc) =	sbr.rel @p1 .LBB2_1-.Ltmp1, $4  }
0x71: {  	[tilespmem:$0x81F0] =	vst v0  }
0x72: {  	[tilespmem:$0x81E0] =	vst v0  }
0x73: {  	[tilespmem:$0x81D0] =	vst v0  }
0x74: {  	[tilespmem:$0x81C0] =	vst v0  }
.LBB2_2:
0x75: {  	[tilespmem:$0x81B0] =	vst v0  }
0x76: {  	[tilespmem:$0x81A0] =	vst v0  }
0x77: {  	[tilespmem:$0x8190] =	vst v0  }
0x78: {  	[tilespmem:$0x8180] =	vst v0  }
0x79: {  	[tilespmem:$0x8170] =	vst v0  }
0x7a: {  	[tilespmem:$0x8160] =	vst v0  }
0x7b: {  	[tilespmem:$0x8150] =	vst v0  }
0x7c: {  	[tilespmem:$0x8140] =	vst v0  }
0x7d: {  	[tilespmem:$0x8130] =	vst v0  }
0x7e: {  	[tilespmem:$0x8120] =	vst v0  }
0x7f: {  	[tilespmem:$0x8100] =	vst v0  }
0x80: {  	[tilespmem:$0x8110] =	vst v0  }
0x81: {  	[spmem:s13] =	stream.linear.scatter [tilespmem:s15], [sflag:$0x2], $0x200, $0x38;
	[tilespmem:$0x8580] =	vst v63  }
0x82: {  	_ =	swait.ge [sflag:s2], $0x200  }
0x83: {  	[sflag:s2] =	ssyncset.done $0x0  }
0x84: {  	[sflag:s2] =	ssyncadd.s32 $0xFFFFFE00  }
0x85: {  	[bflag:$0x0] =	sbarrier.arrive $0xFFFF  }
0x86: {  	[spmem:s4] =	stream.indirect.scatter.add.f32 [tilespmem:s14], [sflag:$0x2], $0x1, s1, s5, $0xb8;
	[tilespmem:$0x8580] =	vst v63  }
0x87: {  	_ =	swait.ge [sflag:s2], $0x80  }
0x88: {  	[sflag:s2] =	ssyncset.done $0x0  }
0x89: {  	[sflag:s2] =	ssyncadd.s32 $0xFFFFFF80  }
0x8a: {  	[spmem:s4] =	stream.indirect.scatter.add.f32 [tilespmem:s14], [sflag:$0x2], $0x1, s5, s5, $0xb8;
	[tilespmem:$0x8580] =	vst v63  }
0x8b: {  	_ =	swait.ge [sflag:s2], $0x80  }
0x8c: {  	s6 =	simm.s32 @!p0 $0x1;
	[sflag:s2] =	ssyncset.done $0x0  }
0x8d: {  	s7 =	simm.s32 @!p0 $0x20;
	s9 =	simm.s32 @!p0 $0x2;
	[sflag:s2] =	ssyncadd.s32 $0xFFFFFF80  }
0x8e: {  	s4 =	simm.s32 @!p0 $0x10;
	s5 =	simm.s32 @!p0 $0x1C02;
	[bflag:$0x0] =	sbarrier.arrive $0xFFFF  }
0x8f: {  	[hbm:s10@s7], [sflag:s5] =	dma.strided @!p0 [spmem:s12@s4], $0x400, s6, $0x10   }
0x90: {  	_ =	swait.ge @!p0 [sflag:s9], $0x400  }
0x91: {  	[sflag:s9] =	ssyncset.done @!p0 $0x0  }
0x92: {  	[sflag:s9] =	ssyncadd.s32 @!p0 $0xFFFFFC00  }
0x93: {  	_ =	swait.ge [sflag:s11], $0x4000  }
0x94: {  	[sflag:s11] =	ssyncset.done $0x0  }
0x95: {  	[sflag:s11] =	ssyncadd.s32 $0xFFFFC000  }
0x96: {  	_ =	swait.ge [sflag:s11], $0x4000  }
0x97: {  	[sflag:s11] =	ssyncset.done $0x0  }
0x98: {  	[sflag:s11] =	ssyncadd.s32 $0xFFFFC000  }
0x99: {  	[hbm4b:s8+s1] =	stream.linear.scatter [tilespmem:s3], [sflag:$0x2], $0x8000, $0x38;
	[tilespmem:$0x8580] =	vst v63  }
0x9a: {  	_ =	swait.ge [sflag:s2], $0x8000  }
0x9b: {  	[sflag:s2] =	ssyncset.done $0x0  }
0x9c: {  	[sflag:s2] =	ssyncadd.s32 $0xFFFF8000  }
0x9d: {  	_ =	sfence.sel $0x180000  }
0x9e: {  	[bflag:$0x0] =	sbarrier.arrive $0xFFFF  }
0x9f: {  	_ =	strace $0x90000047  }
0xa0: {  	s0 =	sadd.s32 @!p0 $0x100000, s0;
	[bflag:$0x2] =	sbarrier.arrive $0xFFFF  }
0xa1: {  	[sflag:s0] =	ssyncadd.tile.s32 @!p0 $0x1;
	_ =	shalt  }
.Lfunc_end2:
_tile_overlayer_lowered:
.L_overlay_start_2:
0xa2: {  	(tag) =	ssettag $0x2  }
0xa3: {  	s0 =	rddreg [dreg:$0x0];
	s2 =	stileid.u32  }
0xa4: {  	s1 =	rddreg [dreg:$0x1];
	p0 =	sne.s32 s2, $0x0  }
0xa5: {  	s3 =	rddreg [dreg:$0x2];
	[bflag:$0x3] =	sbarrier.arrive $0xFFFF;
	s2 =	simm.s32 @!p0 $0x1C02  }
0xa6: {  	[timem:s3], [sflag:s2] =	dma.local @!p0 [hbm:s0], s1  }
0xa7: {  	s0 =	simm.s32 @!p0 $0x2  }
0xa8: {  	_ =	swait.ge @!p0 [sflag:s0], s1  }
0xa9: {  	s1 =	ssub.s32 @!p0 $0x0, s1;
	[sflag:s0] =	ssyncset.done @!p0 $0x0  }
0xaa: {  	[sflag:s0] =	ssyncadd.s32 @!p0 s1  }
0xab: {  	[bflag:$0x3] =	sbarrier.arrive $0xFFFF  }
0xac: {  	_ =	shalt  }

</sc_bundles>
